<compile_context>
chip_gen: v7x
topology: tpu7x:2x2x1
jax: 0.10.2.dev20260603
libtpu: 0.0.44.dev20260713+nightly
codegen_flags: <defaults>
</compile_context>

<pallas_src>
import functools

import jax
import jax.numpy as jnp
from jax import lax
from jax.experimental import pallas as pl
from jax.experimental.pallas import tpu as pltpu
from jax.experimental.pallas import tpu_sc as plsc

B = 4096
L = 200
D = 64
V = 100001
NLAB = 500
NLAB_PAD = 512

NC = 2
NS = 16
NW = NC * NS
RPW = B // NW

SPLITS = ((0, 104), (104, 96))

V_ROWS = 100001

_SC_PARAMS = pltpu.CompilerParams(
    use_tc_tiling_on_sc=False, needs_layout_passes=False)
_MESH = plsc.VectorSubcoreMesh(
    core_axis_name="c", subcore_axis_name="s",
    num_cores=NC, num_subcores=NS)


def _sc_pool_body(x_hbm, table_hbm, out_hbm, idx_v, rows_v, out_v, t0_v,
                  sem0, sem1):
    wid = lax.axis_index("s") * NC + lax.axis_index("c")
    base = wid * RPW
    sems = (sem0, sem1)

    pltpu.sync_copy(x_hbm.at[pl.ds(base, RPW)], idx_v)
    pltpu.sync_copy(table_hbm.at[pl.ds(0, 1)], t0_v)

    def fire(r, buf):
        for off, n in SPLITS:
            pltpu.async_copy(
                table_hbm.at[idx_v.at[r, pl.ds(off, n)]],
                rows_v.at[buf, pl.ds(off, n)],
                sems[buf])

    def drain(buf):
        for off, n in SPLITS:
            pltpu.make_async_copy(
                table_hbm.at[pl.ds(0, n)],
                rows_v.at[buf, pl.ds(off, n)],
                sems[buf]).wait()

    lane = lax.iota(jnp.int32, 16)

    t0 = [t0_v[0, pl.ds(k * 16, 16)] for k in range(4)]

    def compute(r, buf):
        def inner(j, acc):
            return tuple(acc[k] + rows_v[buf, j, pl.ds(k * 16, 16)]
                         for k in range(4))
        acc = lax.fori_loop(
            0, L, inner,
            tuple(jnp.zeros((16,), jnp.float32) for _ in range(4)),
            unroll=4)
        cnt = jnp.zeros((16,), jnp.int32)
        for t in range(L // 16):
            z = idx_v[r, pl.ds(t * 16, 16)] == 0
            cnt = cnt + plsc.all_reduce_population_count(z)
        ztail = (idx_v[r, pl.ds(L - 16, 16)] == 0) & (lane >= 8)
        cnt = cnt + plsc.all_reduce_population_count(ztail)
        cf = cnt.astype(jnp.float32)
        for k in range(4):
            out_v[r, pl.ds(k * 16, 16)] = acc[k] - cf * t0[k]

    fire(0, 0)

    def pair(i, carry):
        r0 = 2 * i
        fire(r0 + 1, 1)
        drain(0)
        compute(r0, 0)

        @pl.when(r0 + 2 < RPW)
        def _():
            fire(r0 + 2, 0)

        drain(1)
        compute(r0 + 1, 1)
        return carry

    lax.fori_loop(0, RPW // 2, pair, 0)
    pltpu.sync_copy(out_v, out_hbm.at[pl.ds(base, RPW)])


_sc_pool = pl.kernel(
    _sc_pool_body,
    out_type=jax.ShapeDtypeStruct((B, D), jnp.float32),
    mesh=_MESH,
    scratch_types=[
        pltpu.VMEM((RPW, L), jnp.int32),
        pltpu.VMEM((2, L, D), jnp.float32),
        pltpu.VMEM((RPW, D), jnp.float32),
        pltpu.VMEM((1, D), jnp.float32),
        pltpu.SemaphoreType.DMA,
        pltpu.SemaphoreType.DMA,
    ],
    compiler_params=_SC_PARAMS,
)


def _tc_head_body(p_ref, w_ref, b_ref, o_ref):
    h = jnp.tanh(p_ref[...])
    logits = jnp.dot(h, w_ref[...],
                     preferred_element_type=jnp.float32) + b_ref[...]
    m = jnp.max(logits, axis=-1, keepdims=True)
    e = jnp.exp(logits - m)
    p = e / jnp.sum(e, axis=-1, keepdims=True)
    o_ref[...] = p[:, :NLAB]


TB = 256


@functools.partial(jax.jit, static_argnums=())
def kernel(x, table, W, b):
    pooled = _sc_pool(x, table)
    Wp = jnp.pad(W, ((0, 0), (0, NLAB_PAD - NLAB)))
    bp = jnp.concatenate(
        [b, jnp.full((NLAB_PAD - NLAB,), -1e30, b.dtype)]).reshape(1, NLAB_PAD)
    out = pl.pallas_call(
        _tc_head_body,
        grid=(B // TB,),
        in_specs=[
            pl.BlockSpec((TB, D), lambda i: (i, 0)),
            pl.BlockSpec((D, NLAB_PAD), lambda i: (0, 0)),
            pl.BlockSpec((1, NLAB_PAD), lambda i: (0, 0)),
        ],
        out_specs=pl.BlockSpec((TB, NLAB), lambda i: (i, 0)),
        out_shape=jax.ShapeDtypeStruct((B, NLAB), jnp.float32),
    )(pooled, Wp, bp)
    return out

# --- scband reference (transcript-rebuilt; emitter-appended) ---
"""Pipeline reference for scband-phed-vec-73658689126650 (READ-ONLY COPY).

The authoritative reference and input builder live on the scoring server;
editing this copy changes nothing except your own understanding.
"""

import jax, jax.numpy as jnp
import numpy as np

VOCAB = 100000
EMBED_DIM = 64
LABEL_NUM = 500
BATCH = 4096
SEQ_LEN = 200


def setup_inputs(seed: int = 0) -> dict:
    key = jax.random.key(seed)
    k1, k2, k3 = jax.random.split(key, 3)
    # padded concept-id sequences; 0 is the padding id
    x = jax.random.randint(k1, (BATCH, SEQ_LEN), 0, VOCAB)
    # embedding table: uniform in (-0.1, 0.1), size vocab+1 like len(concept2id)+1
    table = jax.random.uniform(k2, (VOCAB + 1, EMBED_DIM), minval=-0.1, maxval=0.1, dtype=jnp.float32)
    # phecode classifier dense params
    W = jax.random.normal(k3, (EMBED_DIM, LABEL_NUM), dtype=jnp.float32) * 0.05
    b = jnp.zeros((LABEL_NUM,), dtype=jnp.float32)
    return {"x": x, "table": table, "W": W, "b": b}


def reference(x, table, W, b):
    # embedding lookup
    emb = jnp.take(table, x, axis=0)  # [B, L, D]
    # ragged boolean mask (x != 0) followed by sum over the ragged axis
    # == masked sum over the sequence axis
    mask = (x != 0).astype(emb.dtype)[..., None]  # [B, L, 1]
    visit_rep = jnp.tanh(jnp.sum(emb * mask, axis=1))  # [B, D]
    logits = visit_rep @ W + b  # [B, LABEL_NUM]
    softmax_var = jax.nn.softmax(logits, axis=-1)
    return softmax_var

if __name__ == "__main__":
    import jax
    _d = setup_inputs()
    print(jax.jit(kernel)(*tuple(_d.values())))

</pallas_src>

<mosaic_0001>
#map = affine_map<(d0, d1) -> (0, 0)>
module attributes {stable_mosaic.version = 14 : i64} {
  func.func @_sc_pool_body(%arg0: i32, %arg1: i32, %arg2: memref<4096x200xi32, #tpu.memory_space<hbm>>, %arg3: memref<100001x64xf32, #tpu.memory_space<hbm>>, %arg4: memref<4096x64xf32, #tpu.memory_space<hbm>>, %arg5: memref<128x200xi32, #tpu.memory_space<vmem>>, %arg6: memref<2x200x64xf32, #tpu.memory_space<vmem>>, %arg7: memref<128x64xf32, #tpu.memory_space<vmem>>, %arg8: memref<1x64xf32, #tpu.memory_space<vmem>>, %arg9: memref<!tpu.dma_semaphore, #tpu.memory_space<semaphore_mem>>, %arg10: memref<!tpu.dma_semaphore, #tpu.memory_space<semaphore_mem>>) attributes {dimension_semantics = [#tpu.dimension_semantics<core_parallel>, #tpu.dimension_semantics<subcore_parallel>], iteration_bounds = array<i64: 2, 16>, scalar_prefetch = 0 : i64, scratch_operands = 6 : i64, tpu.core_type = #tpu.core_type<sc_vector_subcore>, window_params = [{transform_indices = #map}, {transform_indices = #map}, {transform_indices = #map}]} {
    %mul3A = arith.constant 2 : i32
    %mul3A_0 = arith.muli %arg1, %mul3A : i32
    %add3A = arith.addi %mul3A_0, %arg0 : i32
    %mul3A_1 = arith.constant 128 : i32
    %mul3A_2 = arith.muli %add3A, %mul3A_1 : i32
    "tpu.region"() ({
      %run_scoped3A = tpu.sem_alloc : memref<!tpu.dma_semaphore, #tpu.memory_space<semaphore_mem>>
      %dma_start3A_46 = arith.constant 0 : i32
      %dma_start3A_47 = tpu.memref_slice %arg2[%mul3A_2, %dma_start3A_46] : memref<4096x200xi32, #tpu.memory_space<hbm>> -> memref<128x200xi32, #tpu.memory_space<hbm>>
      %dma_start3A_48 = arith.constant 0 : i32
      %dma_start3A_49 = tpu.memref_slice %arg2[%mul3A_2, %dma_start3A_48] : memref<4096x200xi32, #tpu.memory_space<hbm>> -> memref<128x200xi32, #tpu.memory_space<hbm>>
      tpu.enqueue_dma source(%dma_start3A_49 : memref<128x200xi32, #tpu.memory_space<hbm>>) target(%arg5 : memref<128x200xi32, #tpu.memory_space<vmem>>) target_semaphore(%run_scoped3A : memref<!tpu.dma_semaphore, #tpu.memory_space<semaphore_mem>>)
      %dma_wait3A = arith.constant 0 : i32
      %dma_wait3A_50 = tpu.memref_slice %arg2[%mul3A_2, %dma_wait3A] : memref<4096x200xi32, #tpu.memory_space<hbm>> -> memref<128x200xi32, #tpu.memory_space<hbm>>
      %dma_wait3A_51 = arith.constant 0 : i32
      %dma_wait3A_52 = tpu.memref_slice %arg2[%mul3A_2, %dma_wait3A_51] : memref<4096x200xi32, #tpu.memory_space<hbm>> -> memref<128x200xi32, #tpu.memory_space<hbm>>
      tpu.wait_dma2 semaphore(%run_scoped3A : memref<!tpu.dma_semaphore, #tpu.memory_space<semaphore_mem>>) src(%dma_wait3A_52 : memref<128x200xi32, #tpu.memory_space<hbm>>) dst(%arg5 : memref<128x200xi32, #tpu.memory_space<vmem>>)
      tpu.yield
    }) : () -> ()
    "tpu.region"() ({
      %run_scoped3A = tpu.sem_alloc : memref<!tpu.dma_semaphore, #tpu.memory_space<semaphore_mem>>
      %dma_start3A_46 = arith.constant 0 : i32
      %dma_start3A_47 = arith.constant 0 : i32
      %dma_start3A_48 = tpu.memref_slice %arg3[%dma_start3A_46, %dma_start3A_47] : memref<100001x64xf32, #tpu.memory_space<hbm>> -> memref<1x64xf32, #tpu.memory_space<hbm>>
      %dma_start3A_49 = arith.constant 0 : i32
      %dma_start3A_50 = arith.constant 0 : i32
      %dma_start3A_51 = tpu.memref_slice %arg3[%dma_start3A_49, %dma_start3A_50] : memref<100001x64xf32, #tpu.memory_space<hbm>> -> memref<1x64xf32, #tpu.memory_space<hbm>>
      tpu.enqueue_dma source(%dma_start3A_51 : memref<1x64xf32, #tpu.memory_space<hbm>>) target(%arg8 : memref<1x64xf32, #tpu.memory_space<vmem>>) target_semaphore(%run_scoped3A : memref<!tpu.dma_semaphore, #tpu.memory_space<semaphore_mem>>)
      %dma_wait3A = arith.constant 0 : i32
      %dma_wait3A_52 = arith.constant 0 : i32
      %dma_wait3A_53 = tpu.memref_slice %arg3[%dma_wait3A, %dma_wait3A_52] : memref<100001x64xf32, #tpu.memory_space<hbm>> -> memref<1x64xf32, #tpu.memory_space<hbm>>
      %dma_wait3A_54 = arith.constant 0 : i32
      %dma_wait3A_55 = arith.constant 0 : i32
      %dma_wait3A_56 = tpu.memref_slice %arg3[%dma_wait3A_54, %dma_wait3A_55] : memref<100001x64xf32, #tpu.memory_space<hbm>> -> memref<1x64xf32, #tpu.memory_space<hbm>>
      tpu.wait_dma2 semaphore(%run_scoped3A : memref<!tpu.dma_semaphore, #tpu.memory_space<semaphore_mem>>) src(%dma_wait3A_56 : memref<1x64xf32, #tpu.memory_space<hbm>>) dst(%arg8 : memref<1x64xf32, #tpu.memory_space<vmem>>)
      tpu.yield
    }) : () -> ()
    %iota3A = tpu.iota {dimensions = array<i32: 0>} : vector<16xi32>
    %get3A = arith.constant 0 : i32
    %get3A_3 = arith.index_cast %get3A : i32 to index
    %get3A_4 = arith.constant 0 : index
    %get3A_5 = tpu.vector_load %arg8[%get3A_3, %get3A_4] {strides = array<i32>} : memref<1x64xf32, #tpu.memory_space<vmem>>, vector<16xf32>,
    %get3A_6 = arith.constant 0 : i32
    %get3A_7 = arith.index_cast %get3A_6 : i32 to index
    %get3A_8 = arith.constant 16 : index
    %get3A_9 = tpu.vector_load %arg8[%get3A_7, %get3A_8] {strides = array<i32>} : memref<1x64xf32, #tpu.memory_space<vmem>>, vector<16xf32>,
    %get3A_10 = arith.constant 0 : i32
    %get3A_11 = arith.index_cast %get3A_10 : i32 to index
    %get3A_12 = arith.constant 32 : index
    %get3A_13 = tpu.vector_load %arg8[%get3A_11, %get3A_12] {strides = array<i32>} : memref<1x64xf32, #tpu.memory_space<vmem>>, vector<16xf32>,
    %get3A_14 = arith.constant 0 : i32
    %get3A_15 = arith.index_cast %get3A_14 : i32 to index
    %get3A_16 = arith.constant 48 : index
    %get3A_17 = tpu.vector_load %arg8[%get3A_15, %get3A_16] {strides = array<i32>} : memref<1x64xf32, #tpu.memory_space<vmem>>, vector<16xf32>,
    %dma_start3A = arith.constant 0 : i32
    %dma_start3A_18 = arith.constant 0 : i32
    %dma_start3A_19 = arith.constant 0 : i32
    %dma_start3A_20 = arith.constant 0 : i32
    %dma_start3A_21 = tpu.memref_slice %arg6[%dma_start3A_18, %dma_start3A_19, %dma_start3A_20] : memref<2x200x64xf32, #tpu.memory_space<vmem>> -> memref<1x104x64xf32, #tpu.memory_space<vmem>>
    %dma_start3A_22 = tpu.memref_squeeze %dma_start3A_21 : memref<1x104x64xf32, #tpu.memory_space<vmem>> -> memref<104x64xf32, #tpu.memory_space<vmem>>
    %dma_start3A_23 = arith.constant 0 : i32
    %dma_start3A_24 = tpu.memref_slice %arg5[%dma_start3A, %dma_start3A_23] : memref<128x200xi32, #tpu.memory_space<vmem>> -> memref<1x104xi32, #tpu.memory_space<vmem>>
    %dma_start3A_25 = tpu.memref_squeeze %dma_start3A_24 : memref<1x104xi32, #tpu.memory_space<vmem>> -> memref<104xi32, #tpu.memory_space<vmem>>
    %dma_start3A_26 = arith.constant 0 : i32
    %dma_start3A_27 = arith.constant 0 : i32
    %dma_start3A_28 = tpu.memref_slice %arg3[%dma_start3A_26, %dma_start3A_27] : memref<100001x64xf32, #tpu.memory_space<hbm>> -> memref<100001x64xf32, #tpu.memory_space<hbm>>
    tpu.enqueue_indirect_dma source(%dma_start3A_28 : memref<100001x64xf32, #tpu.memory_space<hbm>>) target(%dma_start3A_22 : memref<104x64xf32, #tpu.memory_space<vmem>>) offsets(%dma_start3A_25 : memref<104xi32, #tpu.memory_space<vmem>>) semaphore(%arg9 : memref<!tpu.dma_semaphore, #tpu.memory_space<semaphore_mem>>)
    %dma_start3A_29 = arith.constant 0 : i32
    %dma_start3A_30 = arith.constant 0 : i32
    %dma_start3A_31 = arith.constant 104 : i32
    %dma_start3A_32 = arith.constant 0 : i32
    %dma_start3A_33 = tpu.memref_slice %arg6[%dma_start3A_30, %dma_start3A_31, %dma_start3A_32] : memref<2x200x64xf32, #tpu.memory_space<vmem>> -> memref<1x96x64xf32, #tpu.memory_space<vmem>>
    %dma_start3A_34 = tpu.memref_squeeze %dma_start3A_33 : memref<1x96x64xf32, #tpu.memory_space<vmem>> -> memref<96x64xf32, #tpu.memory_space<vmem>>
    %dma_start3A_35 = arith.constant 104 : i32
    %dma_start3A_36 = tpu.memref_slice %arg5[%dma_start3A_29, %dma_start3A_35] : memref<128x200xi32, #tpu.memory_space<vmem>> -> memref<1x96xi32, #tpu.memory_space<vmem>>
    %dma_start3A_37 = tpu.memref_squeeze %dma_start3A_36 : memref<1x96xi32, #tpu.memory_space<vmem>> -> memref<96xi32, #tpu.memory_space<vmem>>
    %dma_start3A_38 = arith.constant 0 : i32
    %dma_start3A_39 = arith.constant 0 : i32
    %dma_start3A_40 = tpu.memref_slice %arg3[%dma_start3A_38, %dma_start3A_39] : memref<100001x64xf32, #tpu.memory_space<hbm>> -> memref<100001x64xf32, #tpu.memory_space<hbm>>
    tpu.enqueue_indirect_dma source(%dma_start3A_40 : memref<100001x64xf32, #tpu.memory_space<hbm>>) target(%dma_start3A_34 : memref<96x64xf32, #tpu.memory_space<vmem>>) offsets(%dma_start3A_37 : memref<96xi32, #tpu.memory_space<vmem>>) semaphore(%arg9 : memref<!tpu.dma_semaphore, #tpu.memory_space<semaphore_mem>>)
    %scan3A = arith.constant 0 : i32
    %scan3A_41 = arith.constant 0 : i32
    %scan3A_42 = arith.constant 64 : i32
    %scan3A_43 = arith.addi %scan3A_41, %scan3A_42 : i32
    %scan3A_44 = arith.constant 1 : i32
    scf.for %scan3A_46 = %scan3A_41 to %scan3A_43 step %scan3A_44  : i32 {
      %mul3A_47 = arith.constant 2 : i32
      %mul3A_48 = arith.muli %mul3A_47, %scan3A_46 : i32
      %add3A_49 = arith.constant 1 : i32
      %add3A_50 = arith.addi %mul3A_48, %add3A_49 : i32
      %dma_start3A_51 = arith.constant 1 : i32
      %dma_start3A_52 = arith.constant 0 : i32
      %dma_start3A_53 = arith.constant 0 : i32
      %dma_start3A_54 = tpu.memref_slice %arg6[%dma_start3A_51, %dma_start3A_52, %dma_start3A_53] : memref<2x200x64xf32, #tpu.memory_space<vmem>> -> memref<1x104x64xf32, #tpu.memory_space<vmem>>
      %dma_start3A_55 = tpu.memref_squeeze %dma_start3A_54 : memref<1x104x64xf32, #tpu.memory_space<vmem>> -> memref<104x64xf32, #tpu.memory_space<vmem>>
      %dma_start3A_56 = arith.constant 0 : i32
      %dma_start3A_57 = tpu.memref_slice %arg5[%add3A_50, %dma_start3A_56] : memref<128x200xi32, #tpu.memory_space<vmem>> -> memref<1x104xi32, #tpu.memory_space<vmem>>
      %dma_start3A_58 = tpu.memref_squeeze %dma_start3A_57 : memref<1x104xi32, #tpu.memory_space<vmem>> -> memref<104xi32, #tpu.memory_space<vmem>>
      %dma_start3A_59 = arith.constant 0 : i32
      %dma_start3A_60 = arith.constant 0 : i32
      %dma_start3A_61 = tpu.memref_slice %arg3[%dma_start3A_59, %dma_start3A_60] : memref<100001x64xf32, #tpu.memory_space<hbm>> -> memref<100001x64xf32, #tpu.memory_space<hbm>>
      tpu.enqueue_indirect_dma source(%dma_start3A_61 : memref<100001x64xf32, #tpu.memory_space<hbm>>) target(%dma_start3A_55 : memref<104x64xf32, #tpu.memory_space<vmem>>) offsets(%dma_start3A_58 : memref<104xi32, #tpu.memory_space<vmem>>) semaphore(%arg10 : memref<!tpu.dma_semaphore, #tpu.memory_space<semaphore_mem>>)
      %dma_start3A_62 = arith.constant 1 : i32
      %dma_start3A_63 = arith.constant 104 : i32
      %dma_start3A_64 = arith.constant 0 : i32
      %dma_start3A_65 = tpu.memref_slice %arg6[%dma_start3A_62, %dma_start3A_63, %dma_start3A_64] : memref<2x200x64xf32, #tpu.memory_space<vmem>> -> memref<1x96x64xf32, #tpu.memory_space<vmem>>
      %dma_start3A_66 = tpu.memref_squeeze %dma_start3A_65 : memref<1x96x64xf32, #tpu.memory_space<vmem>> -> memref<96x64xf32, #tpu.memory_space<vmem>>
      %dma_start3A_67 = arith.constant 104 : i32
      %dma_start3A_68 = tpu.memref_slice %arg5[%add3A_50, %dma_start3A_67] : memref<128x200xi32, #tpu.memory_space<vmem>> -> memref<1x96xi32, #tpu.memory_space<vmem>>
      %dma_start3A_69 = tpu.memref_squeeze %dma_start3A_68 : memref<1x96xi32, #tpu.memory_space<vmem>> -> memref<96xi32, #tpu.memory_space<vmem>>
      %dma_start3A_70 = arith.constant 0 : i32
      %dma_start3A_71 = arith.constant 0 : i32
      %dma_start3A_72 = tpu.memref_slice %arg3[%dma_start3A_70, %dma_start3A_71] : memref<100001x64xf32, #tpu.memory_space<hbm>> -> memref<100001x64xf32, #tpu.memory_space<hbm>>
      tpu.enqueue_indirect_dma source(%dma_start3A_72 : memref<100001x64xf32, #tpu.memory_space<hbm>>) target(%dma_start3A_66 : memref<96x64xf32, #tpu.memory_space<vmem>>) offsets(%dma_start3A_69 : memref<96xi32, #tpu.memory_space<vmem>>) semaphore(%arg10 : memref<!tpu.dma_semaphore, #tpu.memory_space<semaphore_mem>>)
      %dma_wait3A = arith.constant 0 : i32
      %dma_wait3A_73 = arith.constant 0 : i32
      %dma_wait3A_74 = arith.constant 0 : i32
      %dma_wait3A_75 = tpu.memref_slice %arg6[%dma_wait3A, %dma_wait3A_73, %dma_wait3A_74] : memref<2x200x64xf32, #tpu.memory_space<vmem>> -> memref<1x104x64xf32, #tpu.memory_space<vmem>>
      %dma_wait3A_76 = tpu.memref_squeeze %dma_wait3A_75 : memref<1x104x64xf32, #tpu.memory_space<vmem>> -> memref<104x64xf32, #tpu.memory_space<vmem>>
      %dma_wait3A_77 = arith.constant 0 : i32
      %dma_wait3A_78 = arith.constant 0 : i32
      %dma_wait3A_79 = tpu.memref_slice %arg3[%dma_wait3A_77, %dma_wait3A_78] : memref<100001x64xf32, #tpu.memory_space<hbm>> -> memref<104x64xf32, #tpu.memory_space<hbm>>
      %dma_wait3A_80 = arith.constant 0 : i32
      %dma_wait3A_81 = arith.constant 0 : i32
      %dma_wait3A_82 = tpu.memref_slice %arg6[%dma_wait3A, %dma_wait3A_80, %dma_wait3A_81] : memref<2x200x64xf32, #tpu.memory_space<vmem>> -> memref<1x104x64xf32, #tpu.memory_space<vmem>>
      %dma_wait3A_83 = tpu.memref_squeeze %dma_wait3A_82 : memref<1x104x64xf32, #tpu.memory_space<vmem>> -> memref<104x64xf32, #tpu.memory_space<vmem>>
      %dma_wait3A_84 = arith.constant 0 : i32
      %dma_wait3A_85 = arith.constant 0 : i32
      %dma_wait3A_86 = tpu.memref_slice %arg3[%dma_wait3A_84, %dma_wait3A_85] : memref<100001x64xf32, #tpu.memory_space<hbm>> -> memref<104x64xf32, #tpu.memory_space<hbm>>
      tpu.wait_dma2 semaphore(%arg9 : memref<!tpu.dma_semaphore, #tpu.memory_space<semaphore_mem>>) src(%dma_wait3A_86 : memref<104x64xf32, #tpu.memory_space<hbm>>) dst(%dma_wait3A_83 : memref<104x64xf32, #tpu.memory_space<vmem>>)
      %dma_wait3A_87 = arith.constant 0 : i32
      %dma_wait3A_88 = arith.constant 104 : i32
      %dma_wait3A_89 = arith.constant 0 : i32
      %dma_wait3A_90 = tpu.memref_slice %arg6[%dma_wait3A_87, %dma_wait3A_88, %dma_wait3A_89] : memref<2x200x64xf32, #tpu.memory_space<vmem>> -> memref<1x96x64xf32, #tpu.memory_space<vmem>>
      %dma_wait3A_91 = tpu.memref_squeeze %dma_wait3A_90 : memref<1x96x64xf32, #tpu.memory_space<vmem>> -> memref<96x64xf32, #tpu.memory_space<vmem>>
      %dma_wait3A_92 = arith.constant 0 : i32
      %dma_wait3A_93 = arith.constant 0 : i32
      %dma_wait3A_94 = tpu.memref_slice %arg3[%dma_wait3A_92, %dma_wait3A_93] : memref<100001x64xf32, #tpu.memory_space<hbm>> -> memref<96x64xf32, #tpu.memory_space<hbm>>
      %dma_wait3A_95 = arith.constant 104 : i32
      %dma_wait3A_96 = arith.constant 0 : i32
      %dma_wait3A_97 = tpu.memref_slice %arg6[%dma_wait3A_87, %dma_wait3A_95, %dma_wait3A_96] : memref<2x200x64xf32, #tpu.memory_space<vmem>> -> memref<1x96x64xf32, #tpu.memory_space<vmem>>
      %dma_wait3A_98 = tpu.memref_squeeze %dma_wait3A_97 : memref<1x96x64xf32, #tpu.memory_space<vmem>> -> memref<96x64xf32, #tpu.memory_space<vmem>>
      %dma_wait3A_99 = arith.constant 0 : i32
      %dma_wait3A_100 = arith.constant 0 : i32
      %dma_wait3A_101 = tpu.memref_slice %arg3[%dma_wait3A_99, %dma_wait3A_100] : memref<100001x64xf32, #tpu.memory_space<hbm>> -> memref<96x64xf32, #tpu.memory_space<hbm>>
      tpu.wait_dma2 semaphore(%arg9 : memref<!tpu.dma_semaphore, #tpu.memory_space<semaphore_mem>>) src(%dma_wait3A_101 : memref<96x64xf32, #tpu.memory_space<hbm>>) dst(%dma_wait3A_98 : memref<96x64xf32, #tpu.memory_space<vmem>>)
      %broadcast_in_dim3A = arith.constant 0.000000e+00 : f32
      %broadcast_in_dim3A_102 = vector.broadcast %broadcast_in_dim3A : f32 to vector<16xf32>
      %broadcast_in_dim3A_103 = arith.constant 0.000000e+00 : f32
      %broadcast_in_dim3A_104 = vector.broadcast %broadcast_in_dim3A_103 : f32 to vector<16xf32>
      %broadcast_in_dim3A_105 = arith.constant 0.000000e+00 : f32
      %broadcast_in_dim3A_106 = vector.broadcast %broadcast_in_dim3A_105 : f32 to vector<16xf32>
      %broadcast_in_dim3A_107 = arith.constant 0.000000e+00 : f32
      %broadcast_in_dim3A_108 = vector.broadcast %broadcast_in_dim3A_107 : f32 to vector<16xf32>
      %scan3A_109 = arith.constant 0 : i32
      %scan3A_110 = arith.constant 200 : i32
      %scan3A_111 = arith.addi %scan3A_109, %scan3A_110 : i32
      %scan3A_112 = arith.constant 4 : i32
      %scan3A_113:4 = scf.for %scan3A_421 = %scan3A_109 to %scan3A_111 step %scan3A_112 iter_args(%scan3A_422 = %broadcast_in_dim3A_102, %scan3A_423 = %broadcast_in_dim3A_104, %scan3A_424 = %broadcast_in_dim3A_106, %scan3A_425 = %broadcast_in_dim3A_108) -> (vector<16xf32>, vector<16xf32>, vector<16xf32>, vector<16xf32>)  : i32 {
        %get3A_426 = arith.constant 0 : i32
        %get3A_427 = arith.index_cast %get3A_426 : i32 to index
        %get3A_428 = arith.index_cast %scan3A_421 : i32 to index
        %get3A_429 = arith.constant 0 : index
        %get3A_430 = tpu.vector_load %arg6[%get3A_427, %get3A_428, %get3A_429] {strides = array<i32>} : memref<2x200x64xf32, #tpu.memory_space<vmem>>, vector<16xf32>,
        %add3A_431 = arith.addf %scan3A_422, %get3A_430 : vector<16xf32>
        %get3A_432 = arith.constant 0 : i32
        %get3A_433 = arith.index_cast %get3A_432 : i32 to index
        %get3A_434 = arith.index_cast %scan3A_421 : i32 to index
        %get3A_435 = arith.constant 16 : index
        %get3A_436 = tpu.vector_load %arg6[%get3A_433, %get3A_434, %get3A_435] {strides = array<i32>} : memref<2x200x64xf32, #tpu.memory_space<vmem>>, vector<16xf32>,
        %add3A_437 = arith.addf %scan3A_423, %get3A_436 : vector<16xf32>
        %get3A_438 = arith.constant 0 : i32
        %get3A_439 = arith.index_cast %get3A_438 : i32 to index
        %get3A_440 = arith.index_cast %scan3A_421 : i32 to index
        %get3A_441 = arith.constant 32 : index
        %get3A_442 = tpu.vector_load %arg6[%get3A_439, %get3A_440, %get3A_441] {strides = array<i32>} : memref<2x200x64xf32, #tpu.memory_space<vmem>>, vector<16xf32>,
        %add3A_443 = arith.addf %scan3A_424, %get3A_442 : vector<16xf32>
        %get3A_444 = arith.constant 0 : i32
        %get3A_445 = arith.index_cast %get3A_444 : i32 to index
        %get3A_446 = arith.index_cast %scan3A_421 : i32 to index
        %get3A_447 = arith.constant 48 : index
        %get3A_448 = tpu.vector_load %arg6[%get3A_445, %get3A_446, %get3A_447] {strides = array<i32>} : memref<2x200x64xf32, #tpu.memory_space<vmem>>, vector<16xf32>,
        %add3A_449 = arith.addf %scan3A_425, %get3A_448 : vector<16xf32>
        %scan3A_450 = arith.constant 1 : i32
        %scan3A_451 = arith.addi %scan3A_421, %scan3A_450 : i32
        %get3A_452 = arith.constant 0 : i32
        %get3A_453 = arith.index_cast %get3A_452 : i32 to index
        %get3A_454 = arith.index_cast %scan3A_451 : i32 to index
        %get3A_455 = arith.constant 0 : index
        %get3A_456 = tpu.vector_load %arg6[%get3A_453, %get3A_454, %get3A_455] {strides = array<i32>} : memref<2x200x64xf32, #tpu.memory_space<vmem>>, vector<16xf32>,
        %add3A_457 = arith.addf %add3A_431, %get3A_456 : vector<16xf32>
        %get3A_458 = arith.constant 0 : i32
        %get3A_459 = arith.index_cast %get3A_458 : i32 to index
        %get3A_460 = arith.index_cast %scan3A_451 : i32 to index
        %get3A_461 = arith.constant 16 : index
        %get3A_462 = tpu.vector_load %arg6[%get3A_459, %get3A_460, %get3A_461] {strides = array<i32>} : memref<2x200x64xf32, #tpu.memory_space<vmem>>, vector<16xf32>,
        %add3A_463 = arith.addf %add3A_437, %get3A_462 : vector<16xf32>
        %get3A_464 = arith.constant 0 : i32
        %get3A_465 = arith.index_cast %get3A_464 : i32 to index
        %get3A_466 = arith.index_cast %scan3A_451 : i32 to index
        %get3A_467 = arith.constant 32 : index
        %get3A_468 = tpu.vector_load %arg6[%get3A_465, %get3A_466, %get3A_467] {strides = array<i32>} : memref<2x200x64xf32, #tpu.memory_space<vmem>>, vector<16xf32>,
        %add3A_469 = arith.addf %add3A_443, %get3A_468 : vector<16xf32>
        %get3A_470 = arith.constant 0 : i32
        %get3A_471 = arith.index_cast %get3A_470 : i32 to index
        %get3A_472 = arith.index_cast %scan3A_451 : i32 to index
        %get3A_473 = arith.constant 48 : index
        %get3A_474 = tpu.vector_load %arg6[%get3A_471, %get3A_472, %get3A_473] {strides = array<i32>} : memref<2x200x64xf32, #tpu.memory_space<vmem>>, vector<16xf32>,
        %add3A_475 = arith.addf %add3A_449, %get3A_474 : vector<16xf32>
        %scan3A_476 = arith.constant 2 : i32
        %scan3A_477 = arith.addi %scan3A_421, %scan3A_476 : i32
        %get3A_478 = arith.constant 0 : i32
        %get3A_479 = arith.index_cast %get3A_478 : i32 to index
        %get3A_480 = arith.index_cast %scan3A_477 : i32 to index
        %get3A_481 = arith.constant 0 : index
        %get3A_482 = tpu.vector_load %arg6[%get3A_479, %get3A_480, %get3A_481] {strides = array<i32>} : memref<2x200x64xf32, #tpu.memory_space<vmem>>, vector<16xf32>,
        %add3A_483 = arith.addf %add3A_457, %get3A_482 : vector<16xf32>
        %get3A_484 = arith.constant 0 : i32
        %get3A_485 = arith.index_cast %get3A_484 : i32 to index
        %get3A_486 = arith.index_cast %scan3A_477 : i32 to index
        %get3A_487 = arith.constant 16 : index
        %get3A_488 = tpu.vector_load %arg6[%get3A_485, %get3A_486, %get3A_487] {strides = array<i32>} : memref<2x200x64xf32, #tpu.memory_space<vmem>>, vector<16xf32>,
        %add3A_489 = arith.addf %add3A_463, %get3A_488 : vector<16xf32>
        %get3A_490 = arith.constant 0 : i32
        %get3A_491 = arith.index_cast %get3A_490 : i32 to index
        %get3A_492 = arith.index_cast %scan3A_477 : i32 to index
        %get3A_493 = arith.constant 32 : index
        %get3A_494 = tpu.vector_load %arg6[%get3A_491, %get3A_492, %get3A_493] {strides = array<i32>} : memref<2x200x64xf32, #tpu.memory_space<vmem>>, vector<16xf32>,
        %add3A_495 = arith.addf %add3A_469, %get3A_494 : vector<16xf32>
        %get3A_496 = arith.constant 0 : i32
        %get3A_497 = arith.index_cast %get3A_496 : i32 to index
        %get3A_498 = arith.index_cast %scan3A_477 : i32 to index
        %get3A_499 = arith.constant 48 : index
        %get3A_500 = tpu.vector_load %arg6[%get3A_497, %get3A_498, %get3A_499] {strides = array<i32>} : memref<2x200x64xf32, #tpu.memory_space<vmem>>, vector<16xf32>,
        %add3A_501 = arith.addf %add3A_475, %get3A_500 : vector<16xf32>
        %scan3A_502 = arith.constant 3 : i32
        %scan3A_503 = arith.addi %scan3A_421, %scan3A_502 : i32
        %get3A_504 = arith.constant 0 : i32
        %get3A_505 = arith.index_cast %get3A_504 : i32 to index
        %get3A_506 = arith.index_cast %scan3A_503 : i32 to index
        %get3A_507 = arith.constant 0 : index
        %get3A_508 = tpu.vector_load %arg6[%get3A_505, %get3A_506, %get3A_507] {strides = array<i32>} : memref<2x200x64xf32, #tpu.memory_space<vmem>>, vector<16xf32>,
        %add3A_509 = arith.addf %add3A_483, %get3A_508 : vector<16xf32>
        %get3A_510 = arith.constant 0 : i32
        %get3A_511 = arith.index_cast %get3A_510 : i32 to index
        %get3A_512 = arith.index_cast %scan3A_503 : i32 to index
        %get3A_513 = arith.constant 16 : index
        %get3A_514 = tpu.vector_load %arg6[%get3A_511, %get3A_512, %get3A_513] {strides = array<i32>} : memref<2x200x64xf32, #tpu.memory_space<vmem>>, vector<16xf32>,
        %add3A_515 = arith.addf %add3A_489, %get3A_514 : vector<16xf32>
        %get3A_516 = arith.constant 0 : i32
        %get3A_517 = arith.index_cast %get3A_516 : i32 to index
        %get3A_518 = arith.index_cast %scan3A_503 : i32 to index
        %get3A_519 = arith.constant 32 : index
        %get3A_520 = tpu.vector_load %arg6[%get3A_517, %get3A_518, %get3A_519] {strides = array<i32>} : memref<2x200x64xf32, #tpu.memory_space<vmem>>, vector<16xf32>,
        %add3A_521 = arith.addf %add3A_495, %get3A_520 : vector<16xf32>
        %get3A_522 = arith.constant 0 : i32
        %get3A_523 = arith.index_cast %get3A_522 : i32 to index
        %get3A_524 = arith.index_cast %scan3A_503 : i32 to index
        %get3A_525 = arith.constant 48 : index
        %get3A_526 = tpu.vector_load %arg6[%get3A_523, %get3A_524, %get3A_525] {strides = array<i32>} : memref<2x200x64xf32, #tpu.memory_space<vmem>>, vector<16xf32>,
        %add3A_527 = arith.addf %add3A_501, %get3A_526 : vector<16xf32>
        scf.yield %add3A_509, %add3A_515, %add3A_521, %add3A_527 : vector<16xf32>, vector<16xf32>, vector<16xf32>, vector<16xf32>
      }
      %scan3A_114 = arith.constant 200 : i32
      %broadcast_in_dim3A_115 = arith.constant 0 : i32
      %broadcast_in_dim3A_116 = vector.broadcast %broadcast_in_dim3A_115 : i32 to vector<16xi32>
      %get3A_117 = arith.index_cast %mul3A_48 : i32 to index
      %get3A_118 = arith.constant 0 : index
      %get3A_119 = tpu.vector_load %arg5[%get3A_117, %get3A_118] {strides = array<i32>} : memref<128x200xi32, #tpu.memory_space<vmem>>, vector<16xi32>,
      %eq3A = arith.constant 0 : i32
      %eq3A_120 = vector.broadcast %eq3A : i32 to vector<16xi32>
      %eq3A_121 = arith.cmpi eq, %get3A_119, %eq3A_120 : vector<16xi32>
      %all_reduce_population_count3A = tpu.all_reduce %eq3A_121 {dim = 0 : i64, kind = #tpu.reduction_kind<sum>} : vector<16xi1> -> vector<16xi32>
      %add3A_122 = arith.addi %broadcast_in_dim3A_116, %all_reduce_population_count3A : vector<16xi32>
      %get3A_123 = arith.index_cast %mul3A_48 : i32 to index
      %get3A_124 = arith.constant 16 : index
      %get3A_125 = tpu.vector_load %arg5[%get3A_123, %get3A_124] {strides = array<i32>} : memref<128x200xi32, #tpu.memory_space<vmem>>, vector<16xi32>,
      %eq3A_126 = arith.constant 0 : i32
      %eq3A_127 = vector.broadcast %eq3A_126 : i32 to vector<16xi32>
      %eq3A_128 = arith.cmpi eq, %get3A_125, %eq3A_127 : vector<16xi32>
      %all_reduce_population_count3A_129 = tpu.all_reduce %eq3A_128 {dim = 0 : i64, kind = #tpu.reduction_kind<sum>} : vector<16xi1> -> vector<16xi32>
      %add3A_130 = arith.addi %add3A_122, %all_reduce_population_count3A_129 : vector<16xi32>
      %get3A_131 = arith.index_cast %mul3A_48 : i32 to index
      %get3A_132 = arith.constant 32 : index
      %get3A_133 = tpu.vector_load %arg5[%get3A_131, %get3A_132] {strides = array<i32>} : memref<128x200xi32, #tpu.memory_space<vmem>>, vector<16xi32>,
      %eq3A_134 = arith.constant 0 : i32
      %eq3A_135 = vector.broadcast %eq3A_134 : i32 to vector<16xi32>
      %eq3A_136 = arith.cmpi eq, %get3A_133, %eq3A_135 : vector<16xi32>
      %all_reduce_population_count3A_137 = tpu.all_reduce %eq3A_136 {dim = 0 : i64, kind = #tpu.reduction_kind<sum>} : vector<16xi1> -> vector<16xi32>
      %add3A_138 = arith.addi %add3A_130, %all_reduce_population_count3A_137 : vector<16xi32>
      %get3A_139 = arith.index_cast %mul3A_48 : i32 to index
      %get3A_140 = arith.constant 48 : index
      %get3A_141 = tpu.vector_load %arg5[%get3A_139, %get3A_140] {strides = array<i32>} : memref<128x200xi32, #tpu.memory_space<vmem>>, vector<16xi32>,
      %eq3A_142 = arith.constant 0 : i32
      %eq3A_143 = vector.broadcast %eq3A_142 : i32 to vector<16xi32>
      %eq3A_144 = arith.cmpi eq, %get3A_141, %eq3A_143 : vector<16xi32>
      %all_reduce_population_count3A_145 = tpu.all_reduce %eq3A_144 {dim = 0 : i64, kind = #tpu.reduction_kind<sum>} : vector<16xi1> -> vector<16xi32>
      %add3A_146 = arith.addi %add3A_138, %all_reduce_population_count3A_145 : vector<16xi32>
      %get3A_147 = arith.index_cast %mul3A_48 : i32 to index
      %get3A_148 = arith.constant 64 : index
      %get3A_149 = tpu.vector_load %arg5[%get3A_147, %get3A_148] {strides = array<i32>} : memref<128x200xi32, #tpu.memory_space<vmem>>, vector<16xi32>,
      %eq3A_150 = arith.constant 0 : i32
      %eq3A_151 = vector.broadcast %eq3A_150 : i32 to vector<16xi32>
      %eq3A_152 = arith.cmpi eq, %get3A_149, %eq3A_151 : vector<16xi32>
      %all_reduce_population_count3A_153 = tpu.all_reduce %eq3A_152 {dim = 0 : i64, kind = #tpu.reduction_kind<sum>} : vector<16xi1> -> vector<16xi32>
      %add3A_154 = arith.addi %add3A_146, %all_reduce_population_count3A_153 : vector<16xi32>
      %get3A_155 = arith.index_cast %mul3A_48 : i32 to index
      %get3A_156 = arith.constant 80 : index
      %get3A_157 = tpu.vector_load %arg5[%get3A_155, %get3A_156] {strides = array<i32>} : memref<128x200xi32, #tpu.memory_space<vmem>>, vector<16xi32>,
      %eq3A_158 = arith.constant 0 : i32
      %eq3A_159 = vector.broadcast %eq3A_158 : i32 to vector<16xi32>
      %eq3A_160 = arith.cmpi eq, %get3A_157, %eq3A_159 : vector<16xi32>
      %all_reduce_population_count3A_161 = tpu.all_reduce %eq3A_160 {dim = 0 : i64, kind = #tpu.reduction_kind<sum>} : vector<16xi1> -> vector<16xi32>
      %add3A_162 = arith.addi %add3A_154, %all_reduce_population_count3A_161 : vector<16xi32>
      %get3A_163 = arith.index_cast %mul3A_48 : i32 to index
      %get3A_164 = arith.constant 96 : index
      %get3A_165 = tpu.vector_load %arg5[%get3A_163, %get3A_164] {strides = array<i32>} : memref<128x200xi32, #tpu.memory_space<vmem>>, vector<16xi32>,
      %eq3A_166 = arith.constant 0 : i32
      %eq3A_167 = vector.broadcast %eq3A_166 : i32 to vector<16xi32>
      %eq3A_168 = arith.cmpi eq, %get3A_165, %eq3A_167 : vector<16xi32>
      %all_reduce_population_count3A_169 = tpu.all_reduce %eq3A_168 {dim = 0 : i64, kind = #tpu.reduction_kind<sum>} : vector<16xi1> -> vector<16xi32>
      %add3A_170 = arith.addi %add3A_162, %all_reduce_population_count3A_169 : vector<16xi32>
      %get3A_171 = arith.index_cast %mul3A_48 : i32 to index
      %get3A_172 = arith.constant 112 : index
      %get3A_173 = tpu.vector_load %arg5[%get3A_171, %get3A_172] {strides = array<i32>} : memref<128x200xi32, #tpu.memory_space<vmem>>, vector<16xi32>,
      %eq3A_174 = arith.constant 0 : i32
      %eq3A_175 = vector.broadcast %eq3A_174 : i32 to vector<16xi32>
      %eq3A_176 = arith.cmpi eq, %get3A_173, %eq3A_175 : vector<16xi32>
      %all_reduce_population_count3A_177 = tpu.all_reduce %eq3A_176 {dim = 0 : i64, kind = #tpu.reduction_kind<sum>} : vector<16xi1> -> vector<16xi32>
      %add3A_178 = arith.addi %add3A_170, %all_reduce_population_count3A_177 : vector<16xi32>
      %get3A_179 = arith.index_cast %mul3A_48 : i32 to index
      %get3A_180 = arith.constant 128 : index
      %get3A_181 = tpu.vector_load %arg5[%get3A_179, %get3A_180] {strides = array<i32>} : memref<128x200xi32, #tpu.memory_space<vmem>>, vector<16xi32>,
      %eq3A_182 = arith.constant 0 : i32
      %eq3A_183 = vector.broadcast %eq3A_182 : i32 to vector<16xi32>
      %eq3A_184 = arith.cmpi eq, %get3A_181, %eq3A_183 : vector<16xi32>
      %all_reduce_population_count3A_185 = tpu.all_reduce %eq3A_184 {dim = 0 : i64, kind = #tpu.reduction_kind<sum>} : vector<16xi1> -> vector<16xi32>
      %add3A_186 = arith.addi %add3A_178, %all_reduce_population_count3A_185 : vector<16xi32>
      %get3A_187 = arith.index_cast %mul3A_48 : i32 to index
      %get3A_188 = arith.constant 144 : index
      %get3A_189 = tpu.vector_load %arg5[%get3A_187, %get3A_188] {strides = array<i32>} : memref<128x200xi32, #tpu.memory_space<vmem>>, vector<16xi32>,
      %eq3A_190 = arith.constant 0 : i32
      %eq3A_191 = vector.broadcast %eq3A_190 : i32 to vector<16xi32>
      %eq3A_192 = arith.cmpi eq, %get3A_189, %eq3A_191 : vector<16xi32>
      %all_reduce_population_count3A_193 = tpu.all_reduce %eq3A_192 {dim = 0 : i64, kind = #tpu.reduction_kind<sum>} : vector<16xi1> -> vector<16xi32>
      %add3A_194 = arith.addi %add3A_186, %all_reduce_population_count3A_193 : vector<16xi32>
      %get3A_195 = arith.index_cast %mul3A_48 : i32 to index
      %get3A_196 = arith.constant 160 : index
      %get3A_197 = tpu.vector_load %arg5[%get3A_195, %get3A_196] {strides = array<i32>} : memref<128x200xi32, #tpu.memory_space<vmem>>, vector<16xi32>,
      %eq3A_198 = arith.constant 0 : i32
      %eq3A_199 = vector.broadcast %eq3A_198 : i32 to vector<16xi32>
      %eq3A_200 = arith.cmpi eq, %get3A_197, %eq3A_199 : vector<16xi32>
      %all_reduce_population_count3A_201 = tpu.all_reduce %eq3A_200 {dim = 0 : i64, kind = #tpu.reduction_kind<sum>} : vector<16xi1> -> vector<16xi32>
      %add3A_202 = arith.addi %add3A_194, %all_reduce_population_count3A_201 : vector<16xi32>
      %get3A_203 = arith.index_cast %mul3A_48 : i32 to index
      %get3A_204 = arith.constant 176 : index
      %get3A_205 = tpu.vector_load %arg5[%get3A_203, %get3A_204] {strides = array<i32>} : memref<128x200xi32, #tpu.memory_space<vmem>>, vector<16xi32>,
      %eq3A_206 = arith.constant 0 : i32
      %eq3A_207 = vector.broadcast %eq3A_206 : i32 to vector<16xi32>
      %eq3A_208 = arith.cmpi eq, %get3A_205, %eq3A_207 : vector<16xi32>
      %all_reduce_population_count3A_209 = tpu.all_reduce %eq3A_208 {dim = 0 : i64, kind = #tpu.reduction_kind<sum>} : vector<16xi1> -> vector<16xi32>
      %add3A_210 = arith.addi %add3A_202, %all_reduce_population_count3A_209 : vector<16xi32>
      %get3A_211 = arith.index_cast %mul3A_48 : i32 to index
      %get3A_212 = arith.constant 184 : index
      %get3A_213 = tpu.vector_load %arg5[%get3A_211, %get3A_212] {strides = array<i32>} : memref<128x200xi32, #tpu.memory_space<vmem>>, vector<16xi32>,
      %eq3A_214 = arith.constant 0 : i32
      %eq3A_215 = vector.broadcast %eq3A_214 : i32 to vector<16xi32>
      %eq3A_216 = arith.cmpi eq, %get3A_213, %eq3A_215 : vector<16xi32>
      %ge3A = arith.constant 8 : i32
      %ge3A_217 = vector.broadcast %ge3A : i32 to vector<16xi32>
      %ge3A_218 = arith.cmpi sge, %iota3A, %ge3A_217 : vector<16xi32>
      %and3A = arith.andi %eq3A_216, %ge3A_218 : vector<16xi1>
      %all_reduce_population_count3A_219 = tpu.all_reduce %and3A {dim = 0 : i64, kind = #tpu.reduction_kind<sum>} : vector<16xi1> -> vector<16xi32>
      %add3A_220 = arith.addi %add3A_210, %all_reduce_population_count3A_219 : vector<16xi32>
      %convert_element_type3A = arith.sitofp %add3A_220 : vector<16xi32> to vector<16xf32>
      %mul3A_221 = arith.mulf %convert_element_type3A, %get3A_5 : vector<16xf32>
      %sub3A = arith.subf %scan3A_113#0, %mul3A_221 : vector<16xf32>
      %swap3A = arith.index_cast %mul3A_48 : i32 to index
      %swap3A_222 = arith.constant 0 : index
      %swap3A_223 = tpu.vector_load %arg7[%swap3A, %swap3A_222] {strides = array<i32>} : memref<128x64xf32, #tpu.memory_space<vmem>>, vector<16xf32>,
      tpu.vector_store %arg7[%swap3A, %swap3A_222], %sub3A {strides = array<i32>} : memref<128x64xf32, #tpu.memory_space<vmem>>, vector<16xf32>,
      %mul3A_224 = arith.mulf %convert_element_type3A, %get3A_9 : vector<16xf32>
      %sub3A_225 = arith.subf %scan3A_113#1, %mul3A_224 : vector<16xf32>
      %swap3A_226 = arith.index_cast %mul3A_48 : i32 to index
      %swap3A_227 = arith.constant 16 : index
      %swap3A_228 = tpu.vector_load %arg7[%swap3A_226, %swap3A_227] {strides = array<i32>} : memref<128x64xf32, #tpu.memory_space<vmem>>, vector<16xf32>,
      tpu.vector_store %arg7[%swap3A_226, %swap3A_227], %sub3A_225 {strides = array<i32>} : memref<128x64xf32, #tpu.memory_space<vmem>>, vector<16xf32>,
      %mul3A_229 = arith.mulf %convert_element_type3A, %get3A_13 : vector<16xf32>
      %sub3A_230 = arith.subf %scan3A_113#2, %mul3A_229 : vector<16xf32>
      %swap3A_231 = arith.index_cast %mul3A_48 : i32 to index
      %swap3A_232 = arith.constant 32 : index
      %swap3A_233 = tpu.vector_load %arg7[%swap3A_231, %swap3A_232] {strides = array<i32>} : memref<128x64xf32, #tpu.memory_space<vmem>>, vector<16xf32>,
      tpu.vector_store %arg7[%swap3A_231, %swap3A_232], %sub3A_230 {strides = array<i32>} : memref<128x64xf32, #tpu.memory_space<vmem>>, vector<16xf32>,
      %mul3A_234 = arith.mulf %convert_element_type3A, %get3A_17 : vector<16xf32>
      %sub3A_235 = arith.subf %scan3A_113#3, %mul3A_234 : vector<16xf32>
      %swap3A_236 = arith.index_cast %mul3A_48 : i32 to index
      %swap3A_237 = arith.constant 48 : index
      %swap3A_238 = tpu.vector_load %arg7[%swap3A_236, %swap3A_237] {strides = array<i32>} : memref<128x64xf32, #tpu.memory_space<vmem>>, vector<16xf32>,
      tpu.vector_store %arg7[%swap3A_236, %swap3A_237], %sub3A_235 {strides = array<i32>} : memref<128x64xf32, #tpu.memory_space<vmem>>, vector<16xf32>,
      %add3A_239 = arith.constant 2 : i32
      %add3A_240 = arith.addi %mul3A_48, %add3A_239 : i32
      %lt3A = arith.constant 128 : i32
      %lt3A_241 = arith.cmpi slt, %add3A_240, %lt3A : i32
      %convert_element_type3A_242 = arith.extui %lt3A_241 : i1 to i32
      %cond3A = arith.constant 0 : i32
      %cond3A_243 = arith.cmpi ne, %convert_element_type3A_242, %cond3A : i32
      scf.if %cond3A_243 {
        %add3A_421 = arith.constant 2 : i32
        %add3A_422 = arith.addi %mul3A_48, %add3A_421 : i32
        %dma_start3A_423 = arith.constant 0 : i32
        %dma_start3A_424 = arith.constant 0 : i32
        %dma_start3A_425 = arith.constant 0 : i32
        %dma_start3A_426 = tpu.memref_slice %arg6[%dma_start3A_423, %dma_start3A_424, %dma_start3A_425] : memref<2x200x64xf32, #tpu.memory_space<vmem>> -> memref<1x104x64xf32, #tpu.memory_space<vmem>>
        %dma_start3A_427 = tpu.memref_squeeze %dma_start3A_426 : memref<1x104x64xf32, #tpu.memory_space<vmem>> -> memref<104x64xf32, #tpu.memory_space<vmem>>
        %dma_start3A_428 = arith.constant 0 : i32
        %dma_start3A_429 = tpu.memref_slice %arg5[%add3A_422, %dma_start3A_428] : memref<128x200xi32, #tpu.memory_space<vmem>> -> memref<1x104xi32, #tpu.memory_space<vmem>>
        %dma_start3A_430 = tpu.memref_squeeze %dma_start3A_429 : memref<1x104xi32, #tpu.memory_space<vmem>> -> memref<104xi32, #tpu.memory_space<vmem>>
        %dma_start3A_431 = arith.constant 0 : i32
        %dma_start3A_432 = arith.constant 0 : i32
        %dma_start3A_433 = tpu.memref_slice %arg3[%dma_start3A_431, %dma_start3A_432] : memref<100001x64xf32, #tpu.memory_space<hbm>> -> memref<100001x64xf32, #tpu.memory_space<hbm>>
        tpu.enqueue_indirect_dma source(%dma_start3A_433 : memref<100001x64xf32, #tpu.memory_space<hbm>>) target(%dma_start3A_427 : memref<104x64xf32, #tpu.memory_space<vmem>>) offsets(%dma_start3A_430 : memref<104xi32, #tpu.memory_space<vmem>>) semaphore(%arg9 : memref<!tpu.dma_semaphore, #tpu.memory_space<semaphore_mem>>)
        %dma_start3A_434 = arith.constant 0 : i32
        %dma_start3A_435 = arith.constant 104 : i32
        %dma_start3A_436 = arith.constant 0 : i32
        %dma_start3A_437 = tpu.memref_slice %arg6[%dma_start3A_434, %dma_start3A_435, %dma_start3A_436] : memref<2x200x64xf32, #tpu.memory_space<vmem>> -> memref<1x96x64xf32, #tpu.memory_space<vmem>>
        %dma_start3A_438 = tpu.memref_squeeze %dma_start3A_437 : memref<1x96x64xf32, #tpu.memory_space<vmem>> -> memref<96x64xf32, #tpu.memory_space<vmem>>
        %dma_start3A_439 = arith.constant 104 : i32
        %dma_start3A_440 = tpu.memref_slice %arg5[%add3A_422, %dma_start3A_439] : memref<128x200xi32, #tpu.memory_space<vmem>> -> memref<1x96xi32, #tpu.memory_space<vmem>>
        %dma_start3A_441 = tpu.memref_squeeze %dma_start3A_440 : memref<1x96xi32, #tpu.memory_space<vmem>> -> memref<96xi32, #tpu.memory_space<vmem>>
        %dma_start3A_442 = arith.constant 0 : i32
        %dma_start3A_443 = arith.constant 0 : i32
        %dma_start3A_444 = tpu.memref_slice %arg3[%dma_start3A_442, %dma_start3A_443] : memref<100001x64xf32, #tpu.memory_space<hbm>> -> memref<100001x64xf32, #tpu.memory_space<hbm>>
        tpu.enqueue_indirect_dma source(%dma_start3A_444 : memref<100001x64xf32, #tpu.memory_space<hbm>>) target(%dma_start3A_438 : memref<96x64xf32, #tpu.memory_space<vmem>>) offsets(%dma_start3A_441 : memref<96xi32, #tpu.memory_space<vmem>>) semaphore(%arg9 : memref<!tpu.dma_semaphore, #tpu.memory_space<semaphore_mem>>)
      } else {
      }
      %dma_wait3A_244 = arith.constant 1 : i32
      %dma_wait3A_245 = arith.constant 0 : i32
      %dma_wait3A_246 = arith.constant 0 : i32
      %dma_wait3A_247 = tpu.memref_slice %arg6[%dma_wait3A_244, %dma_wait3A_245, %dma_wait3A_246] : memref<2x200x64xf32, #tpu.memory_space<vmem>> -> memref<1x104x64xf32, #tpu.memory_space<vmem>>
      %dma_wait3A_248 = tpu.memref_squeeze %dma_wait3A_247 : memref<1x104x64xf32, #tpu.memory_space<vmem>> -> memref<104x64xf32, #tpu.memory_space<vmem>>
      %dma_wait3A_249 = arith.constant 0 : i32
      %dma_wait3A_250 = arith.constant 0 : i32
      %dma_wait3A_251 = tpu.memref_slice %arg3[%dma_wait3A_249, %dma_wait3A_250] : memref<100001x64xf32, #tpu.memory_space<hbm>> -> memref<104x64xf32, #tpu.memory_space<hbm>>
      %dma_wait3A_252 = arith.constant 0 : i32
      %dma_wait3A_253 = arith.constant 0 : i32
      %dma_wait3A_254 = tpu.memref_slice %arg6[%dma_wait3A_244, %dma_wait3A_252, %dma_wait3A_253] : memref<2x200x64xf32, #tpu.memory_space<vmem>> -> memref<1x104x64xf32, #tpu.memory_space<vmem>>
      %dma_wait3A_255 = tpu.memref_squeeze %dma_wait3A_254 : memref<1x104x64xf32, #tpu.memory_space<vmem>> -> memref<104x64xf32, #tpu.memory_space<vmem>>
      %dma_wait3A_256 = arith.constant 0 : i32
      %dma_wait3A_257 = arith.constant 0 : i32
      %dma_wait3A_258 = tpu.memref_slice %arg3[%dma_wait3A_256, %dma_wait3A_257] : memref<100001x64xf32, #tpu.memory_space<hbm>> -> memref<104x64xf32, #tpu.memory_space<hbm>>
      tpu.wait_dma2 semaphore(%arg10 : memref<!tpu.dma_semaphore, #tpu.memory_space<semaphore_mem>>) src(%dma_wait3A_258 : memref<104x64xf32, #tpu.memory_space<hbm>>) dst(%dma_wait3A_255 : memref<104x64xf32, #tpu.memory_space<vmem>>)
      %dma_wait3A_259 = arith.constant 1 : i32
      %dma_wait3A_260 = arith.constant 104 : i32
      %dma_wait3A_261 = arith.constant 0 : i32
      %dma_wait3A_262 = tpu.memref_slice %arg6[%dma_wait3A_259, %dma_wait3A_260, %dma_wait3A_261] : memref<2x200x64xf32, #tpu.memory_space<vmem>> -> memref<1x96x64xf32, #tpu.memory_space<vmem>>
      %dma_wait3A_263 = tpu.memref_squeeze %dma_wait3A_262 : memref<1x96x64xf32, #tpu.memory_space<vmem>> -> memref<96x64xf32, #tpu.memory_space<vmem>>
      %dma_wait3A_264 = arith.constant 0 : i32
      %dma_wait3A_265 = arith.constant 0 : i32
      %dma_wait3A_266 = tpu.memref_slice %arg3[%dma_wait3A_264, %dma_wait3A_265] : memref<100001x64xf32, #tpu.memory_space<hbm>> -> memref<96x64xf32, #tpu.memory_space<hbm>>
      %dma_wait3A_267 = arith.constant 104 : i32
      %dma_wait3A_268 = arith.constant 0 : i32
      %dma_wait3A_269 = tpu.memref_slice %arg6[%dma_wait3A_259, %dma_wait3A_267, %dma_wait3A_268] : memref<2x200x64xf32, #tpu.memory_space<vmem>> -> memref<1x96x64xf32, #tpu.memory_space<vmem>>
      %dma_wait3A_270 = tpu.memref_squeeze %dma_wait3A_269 : memref<1x96x64xf32, #tpu.memory_space<vmem>> -> memref<96x64xf32, #tpu.memory_space<vmem>>
      %dma_wait3A_271 = arith.constant 0 : i32
      %dma_wait3A_272 = arith.constant 0 : i32
      %dma_wait3A_273 = tpu.memref_slice %arg3[%dma_wait3A_271, %dma_wait3A_272] : memref<100001x64xf32, #tpu.memory_space<hbm>> -> memref<96x64xf32, #tpu.memory_space<hbm>>
      tpu.wait_dma2 semaphore(%arg10 : memref<!tpu.dma_semaphore, #tpu.memory_space<semaphore_mem>>) src(%dma_wait3A_273 : memref<96x64xf32, #tpu.memory_space<hbm>>) dst(%dma_wait3A_270 : memref<96x64xf32, #tpu.memory_space<vmem>>)
      %add3A_274 = arith.constant 1 : i32
      %add3A_275 = arith.addi %mul3A_48, %add3A_274 : i32
      %broadcast_in_dim3A_276 = arith.constant 0.000000e+00 : f32
      %broadcast_in_dim3A_277 = vector.broadcast %broadcast_in_dim3A_276 : f32 to vector<16xf32>
      %broadcast_in_dim3A_278 = arith.constant 0.000000e+00 : f32
      %broadcast_in_dim3A_279 = vector.broadcast %broadcast_in_dim3A_278 : f32 to vector<16xf32>
      %broadcast_in_dim3A_280 = arith.constant 0.000000e+00 : f32
      %broadcast_in_dim3A_281 = vector.broadcast %broadcast_in_dim3A_280 : f32 to vector<16xf32>
      %broadcast_in_dim3A_282 = arith.constant 0.000000e+00 : f32
      %broadcast_in_dim3A_283 = vector.broadcast %broadcast_in_dim3A_282 : f32 to vector<16xf32>
      %scan3A_284 = arith.constant 0 : i32
      %scan3A_285 = arith.constant 200 : i32
      %scan3A_286 = arith.addi %scan3A_284, %scan3A_285 : i32
      %scan3A_287 = arith.constant 4 : i32
      %scan3A_288:4 = scf.for %scan3A_421 = %scan3A_284 to %scan3A_286 step %scan3A_287 iter_args(%scan3A_422 = %broadcast_in_dim3A_277, %scan3A_423 = %broadcast_in_dim3A_279, %scan3A_424 = %broadcast_in_dim3A_281, %scan3A_425 = %broadcast_in_dim3A_283) -> (vector<16xf32>, vector<16xf32>, vector<16xf32>, vector<16xf32>)  : i32 {
        %get3A_426 = arith.constant 1 : i32
        %get3A_427 = arith.index_cast %get3A_426 : i32 to index
        %get3A_428 = arith.index_cast %scan3A_421 : i32 to index
        %get3A_429 = arith.constant 0 : index
        %get3A_430 = tpu.vector_load %arg6[%get3A_427, %get3A_428, %get3A_429] {strides = array<i32>} : memref<2x200x64xf32, #tpu.memory_space<vmem>>, vector<16xf32>,
        %add3A_431 = arith.addf %scan3A_422, %get3A_430 : vector<16xf32>
        %get3A_432 = arith.constant 1 : i32
        %get3A_433 = arith.index_cast %get3A_432 : i32 to index
        %get3A_434 = arith.index_cast %scan3A_421 : i32 to index
        %get3A_435 = arith.constant 16 : index
        %get3A_436 = tpu.vector_load %arg6[%get3A_433, %get3A_434, %get3A_435] {strides = array<i32>} : memref<2x200x64xf32, #tpu.memory_space<vmem>>, vector<16xf32>,
        %add3A_437 = arith.addf %scan3A_423, %get3A_436 : vector<16xf32>
        %get3A_438 = arith.constant 1 : i32
        %get3A_439 = arith.index_cast %get3A_438 : i32 to index
        %get3A_440 = arith.index_cast %scan3A_421 : i32 to index
        %get3A_441 = arith.constant 32 : index
        %get3A_442 = tpu.vector_load %arg6[%get3A_439, %get3A_440, %get3A_441] {strides = array<i32>} : memref<2x200x64xf32, #tpu.memory_space<vmem>>, vector<16xf32>,
        %add3A_443 = arith.addf %scan3A_424, %get3A_442 : vector<16xf32>
        %get3A_444 = arith.constant 1 : i32
        %get3A_445 = arith.index_cast %get3A_444 : i32 to index
        %get3A_446 = arith.index_cast %scan3A_421 : i32 to index
        %get3A_447 = arith.constant 48 : index
        %get3A_448 = tpu.vector_load %arg6[%get3A_445, %get3A_446, %get3A_447] {strides = array<i32>} : memref<2x200x64xf32, #tpu.memory_space<vmem>>, vector<16xf32>,
        %add3A_449 = arith.addf %scan3A_425, %get3A_448 : vector<16xf32>
        %scan3A_450 = arith.constant 1 : i32
        %scan3A_451 = arith.addi %scan3A_421, %scan3A_450 : i32
        %get3A_452 = arith.constant 1 : i32
        %get3A_453 = arith.index_cast %get3A_452 : i32 to index
        %get3A_454 = arith.index_cast %scan3A_451 : i32 to index
        %get3A_455 = arith.constant 0 : index
        %get3A_456 = tpu.vector_load %arg6[%get3A_453, %get3A_454, %get3A_455] {strides = array<i32>} : memref<2x200x64xf32, #tpu.memory_space<vmem>>, vector<16xf32>,
        %add3A_457 = arith.addf %add3A_431, %get3A_456 : vector<16xf32>
        %get3A_458 = arith.constant 1 : i32
        %get3A_459 = arith.index_cast %get3A_458 : i32 to index
        %get3A_460 = arith.index_cast %scan3A_451 : i32 to index
        %get3A_461 = arith.constant 16 : index
        %get3A_462 = tpu.vector_load %arg6[%get3A_459, %get3A_460, %get3A_461] {strides = array<i32>} : memref<2x200x64xf32, #tpu.memory_space<vmem>>, vector<16xf32>,
        %add3A_463 = arith.addf %add3A_437, %get3A_462 : vector<16xf32>
        %get3A_464 = arith.constant 1 : i32
        %get3A_465 = arith.index_cast %get3A_464 : i32 to index
        %get3A_466 = arith.index_cast %scan3A_451 : i32 to index
        %get3A_467 = arith.constant 32 : index
        %get3A_468 = tpu.vector_load %arg6[%get3A_465, %get3A_466, %get3A_467] {strides = array<i32>} : memref<2x200x64xf32, #tpu.memory_space<vmem>>, vector<16xf32>,
        %add3A_469 = arith.addf %add3A_443, %get3A_468 : vector<16xf32>
        %get3A_470 = arith.constant 1 : i32
        %get3A_471 = arith.index_cast %get3A_470 : i32 to index
        %get3A_472 = arith.index_cast %scan3A_451 : i32 to index
        %get3A_473 = arith.constant 48 : index
        %get3A_474 = tpu.vector_load %arg6[%get3A_471, %get3A_472, %get3A_473] {strides = array<i32>} : memref<2x200x64xf32, #tpu.memory_space<vmem>>, vector<16xf32>,
        %add3A_475 = arith.addf %add3A_449, %get3A_474 : vector<16xf32>
        %scan3A_476 = arith.constant 2 : i32
        %scan3A_477 = arith.addi %scan3A_421, %scan3A_476 : i32
        %get3A_478 = arith.constant 1 : i32
        %get3A_479 = arith.index_cast %get3A_478 : i32 to index
        %get3A_480 = arith.index_cast %scan3A_477 : i32 to index
        %get3A_481 = arith.constant 0 : index
        %get3A_482 = tpu.vector_load %arg6[%get3A_479, %get3A_480, %get3A_481] {strides = array<i32>} : memref<2x200x64xf32, #tpu.memory_space<vmem>>, vector<16xf32>,
        %add3A_483 = arith.addf %add3A_457, %get3A_482 : vector<16xf32>
        %get3A_484 = arith.constant 1 : i32
        %get3A_485 = arith.index_cast %get3A_484 : i32 to index
        %get3A_486 = arith.index_cast %scan3A_477 : i32 to index
        %get3A_487 = arith.constant 16 : index
        %get3A_488 = tpu.vector_load %arg6[%get3A_485, %get3A_486, %get3A_487] {strides = array<i32>} : memref<2x200x64xf32, #tpu.memory_space<vmem>>, vector<16xf32>,
        %add3A_489 = arith.addf %add3A_463, %get3A_488 : vector<16xf32>
        %get3A_490 = arith.constant 1 : i32
        %get3A_491 = arith.index_cast %get3A_490 : i32 to index
        %get3A_492 = arith.index_cast %scan3A_477 : i32 to index
        %get3A_493 = arith.constant 32 : index
        %get3A_494 = tpu.vector_load %arg6[%get3A_491, %get3A_492, %get3A_493] {strides = array<i32>} : memref<2x200x64xf32, #tpu.memory_space<vmem>>, vector<16xf32>,
        %add3A_495 = arith.addf %add3A_469, %get3A_494 : vector<16xf32>
        %get3A_496 = arith.constant 1 : i32
        %get3A_497 = arith.index_cast %get3A_496 : i32 to index
        %get3A_498 = arith.index_cast %scan3A_477 : i32 to index
        %get3A_499 = arith.constant 48 : index
        %get3A_500 = tpu.vector_load %arg6[%get3A_497, %get3A_498, %get3A_499] {strides = array<i32>} : memref<2x200x64xf32, #tpu.memory_space<vmem>>, vector<16xf32>,
        %add3A_501 = arith.addf %add3A_475, %get3A_500 : vector<16xf32>
        %scan3A_502 = arith.constant 3 : i32
        %scan3A_503 = arith.addi %scan3A_421, %scan3A_502 : i32
        %get3A_504 = arith.constant 1 : i32
        %get3A_505 = arith.index_cast %get3A_504 : i32 to index
        %get3A_506 = arith.index_cast %scan3A_503 : i32 to index
        %get3A_507 = arith.constant 0 : index
        %get3A_508 = tpu.vector_load %arg6[%get3A_505, %get3A_506, %get3A_507] {strides = array<i32>} : memref<2x200x64xf32, #tpu.memory_space<vmem>>, vector<16xf32>,
        %add3A_509 = arith.addf %add3A_483, %get3A_508 : vector<16xf32>
        %get3A_510 = arith.constant 1 : i32
        %get3A_511 = arith.index_cast %get3A_510 : i32 to index
        %get3A_512 = arith.index_cast %scan3A_503 : i32 to index
        %get3A_513 = arith.constant 16 : index
        %get3A_514 = tpu.vector_load %arg6[%get3A_511, %get3A_512, %get3A_513] {strides = array<i32>} : memref<2x200x64xf32, #tpu.memory_space<vmem>>, vector<16xf32>,
        %add3A_515 = arith.addf %add3A_489, %get3A_514 : vector<16xf32>
        %get3A_516 = arith.constant 1 : i32
        %get3A_517 = arith.index_cast %get3A_516 : i32 to index
        %get3A_518 = arith.index_cast %scan3A_503 : i32 to index
        %get3A_519 = arith.constant 32 : index
        %get3A_520 = tpu.vector_load %arg6[%get3A_517, %get3A_518, %get3A_519] {strides = array<i32>} : memref<2x200x64xf32, #tpu.memory_space<vmem>>, vector<16xf32>,
        %add3A_521 = arith.addf %add3A_495, %get3A_520 : vector<16xf32>
        %get3A_522 = arith.constant 1 : i32
        %get3A_523 = arith.index_cast %get3A_522 : i32 to index
        %get3A_524 = arith.index_cast %scan3A_503 : i32 to index
        %get3A_525 = arith.constant 48 : index
        %get3A_526 = tpu.vector_load %arg6[%get3A_523, %get3A_524, %get3A_525] {strides = array<i32>} : memref<2x200x64xf32, #tpu.memory_space<vmem>>, vector<16xf32>,
        %add3A_527 = arith.addf %add3A_501, %get3A_526 : vector<16xf32>
        scf.yield %add3A_509, %add3A_515, %add3A_521, %add3A_527 : vector<16xf32>, vector<16xf32>, vector<16xf32>, vector<16xf32>
      }
      %scan3A_289 = arith.constant 200 : i32
      %broadcast_in_dim3A_290 = arith.constant 0 : i32
      %broadcast_in_dim3A_291 = vector.broadcast %broadcast_in_dim3A_290 : i32 to vector<16xi32>
      %get3A_292 = arith.index_cast %add3A_275 : i32 to index
      %get3A_293 = arith.constant 0 : index
      %get3A_294 = tpu.vector_load %arg5[%get3A_292, %get3A_293] {strides = array<i32>} : memref<128x200xi32, #tpu.memory_space<vmem>>, vector<16xi32>,
      %eq3A_295 = arith.constant 0 : i32
      %eq3A_296 = vector.broadcast %eq3A_295 : i32 to vector<16xi32>
      %eq3A_297 = arith.cmpi eq, %get3A_294, %eq3A_296 : vector<16xi32>
      %all_reduce_population_count3A_298 = tpu.all_reduce %eq3A_297 {dim = 0 : i64, kind = #tpu.reduction_kind<sum>} : vector<16xi1> -> vector<16xi32>
      %add3A_299 = arith.addi %broadcast_in_dim3A_291, %all_reduce_population_count3A_298 : vector<16xi32>
      %get3A_300 = arith.index_cast %add3A_275 : i32 to index
      %get3A_301 = arith.constant 16 : index
      %get3A_302 = tpu.vector_load %arg5[%get3A_300, %get3A_301] {strides = array<i32>} : memref<128x200xi32, #tpu.memory_space<vmem>>, vector<16xi32>,
      %eq3A_303 = arith.constant 0 : i32
      %eq3A_304 = vector.broadcast %eq3A_303 : i32 to vector<16xi32>
      %eq3A_305 = arith.cmpi eq, %get3A_302, %eq3A_304 : vector<16xi32>
      %all_reduce_population_count3A_306 = tpu.all_reduce %eq3A_305 {dim = 0 : i64, kind = #tpu.reduction_kind<sum>} : vector<16xi1> -> vector<16xi32>
      %add3A_307 = arith.addi %add3A_299, %all_reduce_population_count3A_306 : vector<16xi32>
      %get3A_308 = arith.index_cast %add3A_275 : i32 to index
      %get3A_309 = arith.constant 32 : index
      %get3A_310 = tpu.vector_load %arg5[%get3A_308, %get3A_309] {strides = array<i32>} : memref<128x200xi32, #tpu.memory_space<vmem>>, vector<16xi32>,
      %eq3A_311 = arith.constant 0 : i32
      %eq3A_312 = vector.broadcast %eq3A_311 : i32 to vector<16xi32>
      %eq3A_313 = arith.cmpi eq, %get3A_310, %eq3A_312 : vector<16xi32>
      %all_reduce_population_count3A_314 = tpu.all_reduce %eq3A_313 {dim = 0 : i64, kind = #tpu.reduction_kind<sum>} : vector<16xi1> -> vector<16xi32>
      %add3A_315 = arith.addi %add3A_307, %all_reduce_population_count3A_314 : vector<16xi32>
      %get3A_316 = arith.index_cast %add3A_275 : i32 to index
      %get3A_317 = arith.constant 48 : index
      %get3A_318 = tpu.vector_load %arg5[%get3A_316, %get3A_317] {strides = array<i32>} : memref<128x200xi32, #tpu.memory_space<vmem>>, vector<16xi32>,
      %eq3A_319 = arith.constant 0 : i32
      %eq3A_320 = vector.broadcast %eq3A_319 : i32 to vector<16xi32>
      %eq3A_321 = arith.cmpi eq, %get3A_318, %eq3A_320 : vector<16xi32>
      %all_reduce_population_count3A_322 = tpu.all_reduce %eq3A_321 {dim = 0 : i64, kind = #tpu.reduction_kind<sum>} : vector<16xi1> -> vector<16xi32>
      %add3A_323 = arith.addi %add3A_315, %all_reduce_population_count3A_322 : vector<16xi32>
      %get3A_324 = arith.index_cast %add3A_275 : i32 to index
      %get3A_325 = arith.constant 64 : index
      %get3A_326 = tpu.vector_load %arg5[%get3A_324, %get3A_325] {strides = array<i32>} : memref<128x200xi32, #tpu.memory_space<vmem>>, vector<16xi32>,
      %eq3A_327 = arith.constant 0 : i32
      %eq3A_328 = vector.broadcast %eq3A_327 : i32 to vector<16xi32>
      %eq3A_329 = arith.cmpi eq, %get3A_326, %eq3A_328 : vector<16xi32>
      %all_reduce_population_count3A_330 = tpu.all_reduce %eq3A_329 {dim = 0 : i64, kind = #tpu.reduction_kind<sum>} : vector<16xi1> -> vector<16xi32>
      %add3A_331 = arith.addi %add3A_323, %all_reduce_population_count3A_330 : vector<16xi32>
      %get3A_332 = arith.index_cast %add3A_275 : i32 to index
      %get3A_333 = arith.constant 80 : index
      %get3A_334 = tpu.vector_load %arg5[%get3A_332, %get3A_333] {strides = array<i32>} : memref<128x200xi32, #tpu.memory_space<vmem>>, vector<16xi32>,
      %eq3A_335 = arith.constant 0 : i32
      %eq3A_336 = vector.broadcast %eq3A_335 : i32 to vector<16xi32>
      %eq3A_337 = arith.cmpi eq, %get3A_334, %eq3A_336 : vector<16xi32>
      %all_reduce_population_count3A_338 = tpu.all_reduce %eq3A_337 {dim = 0 : i64, kind = #tpu.reduction_kind<sum>} : vector<16xi1> -> vector<16xi32>
      %add3A_339 = arith.addi %add3A_331, %all_reduce_population_count3A_338 : vector<16xi32>
      %get3A_340 = arith.index_cast %add3A_275 : i32 to index
      %get3A_341 = arith.constant 96 : index
      %get3A_342 = tpu.vector_load %arg5[%get3A_340, %get3A_341] {strides = array<i32>} : memref<128x200xi32, #tpu.memory_space<vmem>>, vector<16xi32>,
      %eq3A_343 = arith.constant 0 : i32
      %eq3A_344 = vector.broadcast %eq3A_343 : i32 to vector<16xi32>
      %eq3A_345 = arith.cmpi eq, %get3A_342, %eq3A_344 : vector<16xi32>
      %all_reduce_population_count3A_346 = tpu.all_reduce %eq3A_345 {dim = 0 : i64, kind = #tpu.reduction_kind<sum>} : vector<16xi1> -> vector<16xi32>
      %add3A_347 = arith.addi %add3A_339, %all_reduce_population_count3A_346 : vector<16xi32>
      %get3A_348 = arith.index_cast %add3A_275 : i32 to index
      %get3A_349 = arith.constant 112 : index
      %get3A_350 = tpu.vector_load %arg5[%get3A_348, %get3A_349] {strides = array<i32>} : memref<128x200xi32, #tpu.memory_space<vmem>>, vector<16xi32>,
      %eq3A_351 = arith.constant 0 : i32
      %eq3A_352 = vector.broadcast %eq3A_351 : i32 to vector<16xi32>
      %eq3A_353 = arith.cmpi eq, %get3A_350, %eq3A_352 : vector<16xi32>
      %all_reduce_population_count3A_354 = tpu.all_reduce %eq3A_353 {dim = 0 : i64, kind = #tpu.reduction_kind<sum>} : vector<16xi1> -> vector<16xi32>
      %add3A_355 = arith.addi %add3A_347, %all_reduce_population_count3A_354 : vector<16xi32>
      %get3A_356 = arith.index_cast %add3A_275 : i32 to index
      %get3A_357 = arith.constant 128 : index
      %get3A_358 = tpu.vector_load %arg5[%get3A_356, %get3A_357] {strides = array<i32>} : memref<128x200xi32, #tpu.memory_space<vmem>>, vector<16xi32>,
      %eq3A_359 = arith.constant 0 : i32
      %eq3A_360 = vector.broadcast %eq3A_359 : i32 to vector<16xi32>
      %eq3A_361 = arith.cmpi eq, %get3A_358, %eq3A_360 : vector<16xi32>
      %all_reduce_population_count3A_362 = tpu.all_reduce %eq3A_361 {dim = 0 : i64, kind = #tpu.reduction_kind<sum>} : vector<16xi1> -> vector<16xi32>
      %add3A_363 = arith.addi %add3A_355, %all_reduce_population_count3A_362 : vector<16xi32>
      %get3A_364 = arith.index_cast %add3A_275 : i32 to index
      %get3A_365 = arith.constant 144 : index
      %get3A_366 = tpu.vector_load %arg5[%get3A_364, %get3A_365] {strides = array<i32>} : memref<128x200xi32, #tpu.memory_space<vmem>>, vector<16xi32>,
      %eq3A_367 = arith.constant 0 : i32
      %eq3A_368 = vector.broadcast %eq3A_367 : i32 to vector<16xi32>
      %eq3A_369 = arith.cmpi eq, %get3A_366, %eq3A_368 : vector<16xi32>
      %all_reduce_population_count3A_370 = tpu.all_reduce %eq3A_369 {dim = 0 : i64, kind = #tpu.reduction_kind<sum>} : vector<16xi1> -> vector<16xi32>
      %add3A_371 = arith.addi %add3A_363, %all_reduce_population_count3A_370 : vector<16xi32>
      %get3A_372 = arith.index_cast %add3A_275 : i32 to index
      %get3A_373 = arith.constant 160 : index
      %get3A_374 = tpu.vector_load %arg5[%get3A_372, %get3A_373] {strides = array<i32>} : memref<128x200xi32, #tpu.memory_space<vmem>>, vector<16xi32>,
      %eq3A_375 = arith.constant 0 : i32
      %eq3A_376 = vector.broadcast %eq3A_375 : i32 to vector<16xi32>
      %eq3A_377 = arith.cmpi eq, %get3A_374, %eq3A_376 : vector<16xi32>
      %all_reduce_population_count3A_378 = tpu.all_reduce %eq3A_377 {dim = 0 : i64, kind = #tpu.reduction_kind<sum>} : vector<16xi1> -> vector<16xi32>
      %add3A_379 = arith.addi %add3A_371, %all_reduce_population_count3A_378 : vector<16xi32>
      %get3A_380 = arith.index_cast %add3A_275 : i32 to index
      %get3A_381 = arith.constant 176 : index
      %get3A_382 = tpu.vector_load %arg5[%get3A_380, %get3A_381] {strides = array<i32>} : memref<128x200xi32, #tpu.memory_space<vmem>>, vector<16xi32>,
      %eq3A_383 = arith.constant 0 : i32
      %eq3A_384 = vector.broadcast %eq3A_383 : i32 to vector<16xi32>
      %eq3A_385 = arith.cmpi eq, %get3A_382, %eq3A_384 : vector<16xi32>
      %all_reduce_population_count3A_386 = tpu.all_reduce %eq3A_385 {dim = 0 : i64, kind = #tpu.reduction_kind<sum>} : vector<16xi1> -> vector<16xi32>
      %add3A_387 = arith.addi %add3A_379, %all_reduce_population_count3A_386 : vector<16xi32>
      %get3A_388 = arith.index_cast %add3A_275 : i32 to index
      %get3A_389 = arith.constant 184 : index
      %get3A_390 = tpu.vector_load %arg5[%get3A_388, %get3A_389] {strides = array<i32>} : memref<128x200xi32, #tpu.memory_space<vmem>>, vector<16xi32>,
      %eq3A_391 = arith.constant 0 : i32
      %eq3A_392 = vector.broadcast %eq3A_391 : i32 to vector<16xi32>
      %eq3A_393 = arith.cmpi eq, %get3A_390, %eq3A_392 : vector<16xi32>
      %ge3A_394 = arith.constant 8 : i32
      %ge3A_395 = vector.broadcast %ge3A_394 : i32 to vector<16xi32>
      %ge3A_396 = arith.cmpi sge, %iota3A, %ge3A_395 : vector<16xi32>
      %and3A_397 = arith.andi %eq3A_393, %ge3A_396 : vector<16xi1>
      %all_reduce_population_count3A_398 = tpu.all_reduce %and3A_397 {dim = 0 : i64, kind = #tpu.reduction_kind<sum>} : vector<16xi1> -> vector<16xi32>
      %add3A_399 = arith.addi %add3A_387, %all_reduce_population_count3A_398 : vector<16xi32>
      %convert_element_type3A_400 = arith.sitofp %add3A_399 : vector<16xi32> to vector<16xf32>
      %mul3A_401 = arith.mulf %convert_element_type3A_400, %get3A_5 : vector<16xf32>
      %sub3A_402 = arith.subf %scan3A_288#0, %mul3A_401 : vector<16xf32>
      %swap3A_403 = arith.index_cast %add3A_275 : i32 to index
      %swap3A_404 = arith.constant 0 : index
      %swap3A_405 = tpu.vector_load %arg7[%swap3A_403, %swap3A_404] {strides = array<i32>} : memref<128x64xf32, #tpu.memory_space<vmem>>, vector<16xf32>,
      tpu.vector_store %arg7[%swap3A_403, %swap3A_404], %sub3A_402 {strides = array<i32>} : memref<128x64xf32, #tpu.memory_space<vmem>>, vector<16xf32>,
      %mul3A_406 = arith.mulf %convert_element_type3A_400, %get3A_9 : vector<16xf32>
      %sub3A_407 = arith.subf %scan3A_288#1, %mul3A_406 : vector<16xf32>
      %swap3A_408 = arith.index_cast %add3A_275 : i32 to index
      %swap3A_409 = arith.constant 16 : index
      %swap3A_410 = tpu.vector_load %arg7[%swap3A_408, %swap3A_409] {strides = array<i32>} : memref<128x64xf32, #tpu.memory_space<vmem>>, vector<16xf32>,
      tpu.vector_store %arg7[%swap3A_408, %swap3A_409], %sub3A_407 {strides = array<i32>} : memref<128x64xf32, #tpu.memory_space<vmem>>, vector<16xf32>,
      %mul3A_411 = arith.mulf %convert_element_type3A_400, %get3A_13 : vector<16xf32>
      %sub3A_412 = arith.subf %scan3A_288#2, %mul3A_411 : vector<16xf32>
      %swap3A_413 = arith.index_cast %add3A_275 : i32 to index
      %swap3A_414 = arith.constant 32 : index
      %swap3A_415 = tpu.vector_load %arg7[%swap3A_413, %swap3A_414] {strides = array<i32>} : memref<128x64xf32, #tpu.memory_space<vmem>>, vector<16xf32>,
      tpu.vector_store %arg7[%swap3A_413, %swap3A_414], %sub3A_412 {strides = array<i32>} : memref<128x64xf32, #tpu.memory_space<vmem>>, vector<16xf32>,
      %mul3A_416 = arith.mulf %convert_element_type3A_400, %get3A_17 : vector<16xf32>
      %sub3A_417 = arith.subf %scan3A_288#3, %mul3A_416 : vector<16xf32>
      %swap3A_418 = arith.index_cast %add3A_275 : i32 to index
      %swap3A_419 = arith.constant 48 : index
      %swap3A_420 = tpu.vector_load %arg7[%swap3A_418, %swap3A_419] {strides = array<i32>} : memref<128x64xf32, #tpu.memory_space<vmem>>, vector<16xf32>,
      tpu.vector_store %arg7[%swap3A_418, %swap3A_419], %sub3A_417 {strides = array<i32>} : memref<128x64xf32, #tpu.memory_space<vmem>>, vector<16xf32>,
    }
    %scan3A_45 = arith.constant 64 : i32
    "tpu.region"() ({
      %run_scoped3A = tpu.sem_alloc : memref<!tpu.dma_semaphore, #tpu.memory_space<semaphore_mem>>
      %dma_start3A_46 = arith.constant 0 : i32
      %dma_start3A_47 = tpu.memref_slice %arg4[%mul3A_2, %dma_start3A_46] : memref<4096x64xf32, #tpu.memory_space<hbm>> -> memref<128x64xf32, #tpu.memory_space<hbm>>
      %dma_start3A_48 = arith.constant 0 : i32
      %dma_start3A_49 = tpu.memref_slice %arg4[%mul3A_2, %dma_start3A_48] : memref<4096x64xf32, #tpu.memory_space<hbm>> -> memref<128x64xf32, #tpu.memory_space<hbm>>
      tpu.enqueue_dma source(%arg7 : memref<128x64xf32, #tpu.memory_space<vmem>>) target(%dma_start3A_49 : memref<128x64xf32, #tpu.memory_space<hbm>>) target_semaphore(%run_scoped3A : memref<!tpu.dma_semaphore, #tpu.memory_space<semaphore_mem>>)
      %dma_wait3A = arith.constant 0 : i32
      %dma_wait3A_50 = tpu.memref_slice %arg4[%mul3A_2, %dma_wait3A] : memref<4096x64xf32, #tpu.memory_space<hbm>> -> memref<128x64xf32, #tpu.memory_space<hbm>>
      %dma_wait3A_51 = arith.constant 0 : i32
      %dma_wait3A_52 = tpu.memref_slice %arg4[%mul3A_2, %dma_wait3A_51] : memref<4096x64xf32, #tpu.memory_space<hbm>> -> memref<128x64xf32, #tpu.memory_space<hbm>>
      tpu.wait_dma2 semaphore(%run_scoped3A : memref<!tpu.dma_semaphore, #tpu.memory_space<semaphore_mem>>) src(%arg7 : memref<128x64xf32, #tpu.memory_space<vmem>>) dst(%dma_wait3A_52 : memref<128x64xf32, #tpu.memory_space<hbm>>)
      tpu.yield
    }) : () -> ()
    return
  }
}

module attributes {stable_mosaic.version = 14 : i64} {
  func.func @_tc_head_body(%arg0: i32, %arg1: memref<256x64xf32, #tpu.memory_space<vmem>>, %arg2: memref<64x512xf32, #tpu.memory_space<vmem>>, %arg3: memref<1x512xf32, #tpu.memory_space<vmem>>, %arg4: memref<256x500xf32, #tpu.memory_space<vmem>>) attributes {dimension_semantics = [#tpu.dimension_semantics<arbitrary>], iteration_bounds = array<i64: 16>, scalar_prefetch = 0 : i64, scratch_operands = 0 : i64, tpu.core_type = #tpu.core_type<tc>, window_params = [{transform_indices = @transform_0, window_bounds = array<i64: 256, 64>}, {pipeline_mode = #tpu.pipeline_mode<synchronous>, transform_indices = @transform_1, window_bounds = array<i64: 64, 512>}, {pipeline_mode = #tpu.pipeline_mode<synchronous>, transform_indices = @transform_2, window_bounds = array<i64: 1, 512>}, {transform_indices = @transform_3, window_bounds = array<i64: 256, 500>}]} {
    %get3A = arith.constant 0 : index
    %get3A_0 = arith.constant 0 : index
    %get3A_1 = vector.load %arg1[%get3A, %get3A_0] : memref<256x64xf32, #tpu.memory_space<vmem>>, vector<256x64xf32>
    %tanh3A = math.tanh %get3A_1 : vector<256x64xf32>
    %get3A_2 = arith.constant 0 : index
    %get3A_3 = arith.constant 0 : index
    %get3A_4 = vector.load %arg2[%get3A_2, %get3A_3] : memref<64x512xf32, #tpu.memory_space<vmem>>, vector<64x512xf32>
    %dot_general3A = arith.constant dense<0.000000e+00> : vector<256x512xf32>
    %dot_general3A_5 = tpu.matmul %tanh3A, %get3A_4, %dot_general3A {dimension_numbers = #tpu.dot_dimension_numbers<[1], [0], [0], [1], [0, 0, 1, 1], [], []>, transpose_lhs_hint = false} : vector<256x64xf32>, vector<64x512xf32>, vector<256x512xf32> -> vector<256x512xf32>
    %get3A_6 = arith.constant 0 : index
    %get3A_7 = arith.constant 0 : index
    %get3A_8 = vector.load %arg3[%get3A_6, %get3A_7] : memref<1x512xf32, #tpu.memory_space<vmem>>, vector<1x512xf32>
    %add3A = vector.broadcast %get3A_8 : vector<1x512xf32> to vector<256x512xf32>
    %add3A_9 = arith.addf %dot_general3A_5, %add3A : vector<256x512xf32>
    %reduce_max3A = arith.constant dense<0xFF800000> : vector<256xf32>
    %reduce_max3A_10 = vector.multi_reduction <maximumf>, %add3A_9, %reduce_max3A [1] : vector<256x512xf32> to vector<256xf32>
    %broadcast_in_dim3A = vector.shape_cast %reduce_max3A_10 : vector<256xf32> to vector<256x1xf32>
    %sub3A = vector.broadcast %broadcast_in_dim3A : vector<256x1xf32> to vector<256x512xf32>
    %sub3A_11 = arith.subf %add3A_9, %sub3A : vector<256x512xf32>
    %exp3A = math.exp %sub3A_11 : vector<256x512xf32>
    %reduce_sum3A = arith.constant dense<0.000000e+00> : vector<256xf32>
    %reduce_sum3A_12 = vector.multi_reduction <add>, %exp3A, %reduce_sum3A [1] : vector<256x512xf32> to vector<256xf32>
    %broadcast_in_dim3A_13 = vector.shape_cast %reduce_sum3A_12 : vector<256xf32> to vector<256x1xf32>
    %div3A = vector.broadcast %broadcast_in_dim3A_13 : vector<256x1xf32> to vector<256x512xf32>
    %div3A_14 = arith.divf %exp3A, %div3A : vector<256x512xf32>
    %slice3A = vector.extract_strided_slice %div3A_14 {offsets = [0, 0], sizes = [256, 500], strides = [1, 1]} : vector<256x512xf32> to vector<256x500xf32>
    %swap3A = arith.constant 0 : index
    %swap3A_15 = arith.constant 0 : index
    %swap3A_16 = vector.load %arg4[%swap3A, %swap3A_15] : memref<256x500xf32, #tpu.memory_space<vmem>>, vector<256x500xf32>
    tpu.vector_store %arg4[%swap3A, %swap3A_15], %slice3A {strides = array<i32>} : memref<256x500xf32, #tpu.memory_space<vmem>>, vector<256x500xf32>,
    return
  }
  func.func @transform_0(%arg0: i32) -> (i32, i32) {
    %c0_i32 = arith.constant 0 : i32
    %c0_i32_0 = arith.constant 0 : i32
    return %arg0, %c0_i32 : i32, i32
  }
  func.func @transform_1(%arg0: i32) -> (i32, i32) {
    %c0_i32 = arith.constant 0 : i32
    %c0_i32_0 = arith.constant 0 : i32
    %c0_i32_1 = arith.constant 0 : i32
    return %c0_i32, %c0_i32_0 : i32, i32
  }
  func.func @transform_2(%arg0: i32) -> (i32, i32) {
    %c0_i32 = arith.constant 0 : i32
    %c0_i32_0 = arith.constant 0 : i32
    %c0_i32_1 = arith.constant 0 : i32
    return %c0_i32, %c0_i32_0 : i32, i32
  }
  func.func @transform_3(%arg0: i32) -> (i32, i32) {
    %c0_i32 = arith.constant 0 : i32
    %c0_i32_0 = arith.constant 0 : i32
    return %arg0, %c0_i32 : i32, i32
  }
}

</mosaic_0001>

<sc_bundles>
// kernel: kernel.4.cloned.1.call-start
scs
__scs_entry_jumppad:
0x0: {  	(pc) =	sbr.rel $0x88, $3  }
0x1: {  	(tag) =	ssettag $0x0;
	lr =	simm.s32 $0x1  }
0x2: {  	[smem:$0x3F9D] =	sst lr;
	_ =	strace $0xD0000000  }
0x3: {  	_ = 	snop  }
0x4: {  	_ = 	snop  }
0x5: {  	_ = 	snop  }
0x6: {  	_ = 	snop  }
0x7: {  	_ = 	snop  }
__scs_overlays_trampoline_lowered:
0x8: {  	[smem:$0x3FAC] =	sst s0  }
0x9: {  	[smem:$0x3FAD] =	sst s1  }
0xa: {  	[smem:$0x3FAE] =	sst s2  }
0xb: {  	[smem:$0x3FAF] =	sst s3  }
0xc: {  	[smem:$0x3FB0] =	sst s4  }
0xd: {  	[smem:$0x3FB1] =	sst s5  }
0xe: {  	[smem:$0x3FB2] =	sst s6  }
0xf: {  	[smem:$0x3FB3] =	sst s7  }
0x10: {  	[smem:$0x3FB4] =	sst s8  }
0x11: {  	[smem:$0x3FB5] =	sst s9;
	s0 =	simm.s32 @!p0 $0x0  }
0x12: {  	s1 =	sld [smem:$0x3F9B];
	s0 =	simm.s32 @p0 $0x1  }
0x13: {  	[smem:$0x3FB6] =	sst s0;
	s0 =	simm.s32 @!p1 $0x0  }
0x14: {  	s2 =	sld [smem:$0x3F9A];
	s0 =	simm.s32 @p1 $0x1  }
0x15: {  	[smem:$0x3FB7] =	sst s0;
	s0 =	simm.s32 @!p2 $0x0  }
0x16: {  	s3 =	sld [smem:$0x3FDB];
	s0 =	simm.s32 @p2 $0x1  }
0x17: {  	s4 =	simm.s32 $0x1BF5;
	[smem:$0x3FB9] =	sst s0  }
0x18: {  	s0 =	sld [smem:$0x3F9C];
	_ =	swait.ge [sflag:s4], $0x0  }
0x19: {  	s7 =	sld [smem:$0x3F9D]  }
0x1a: {  	s8 =	sadd.s32 $0xFFFFE003, lr  }
0x1b: {  	s9 =	sadd.s32 $0xFFFFFEF7, lr;
	s5 =	simm.s32 $0xFFFFFFFF;
	p2 =	slt.u32 s8, $0xFFFFF086  }
0x1c: {  	p1 =	slt.u32 s9, $0xF7A;
	s5 =	simm.s32 @!p2 $0x0  }
0x1d: {  	s5 =	simm.s32 @p1 $0x1;
	p0 =	seq.s32 s7, s2  }
0x1e: {  	s7 =	smul.u32 @!p0 $0xF7A, s2;
	p2 =	seq.s32 @!p0 s5, $0x0  }
0x1f: {  	s9 =	smul.u32 $0xF7A, s1;
	s8 =	simm.s32 @!p0 $0x1BF5;
	p2 =	por !p2, p0  }
0x20: {  	[sflag:s8] =	ssyncset.s32 @!p0 $0xFFFFF086;
	s6 =	sadd.s32 @!p0 s3, s7;
	s7 =	simm.s32 @!p0 $0x108  }
0x21: {  	s3 =	sadd.s32 s3, s9;
	s6 =	sadd.s32 @!p0 $0x88, s6;
	s7 =	simm.s32 @p2 $0x1082  }
0x22: {  	[simem:s7], [sflag:s8] =	dma.local @!p0 [hbm:s6], $0xF7A  }
0x23: {  	s9 =	sor.u32 $0xD0000000, s2;
	s6 =	simm.s32 $0x108;
	_ =	swait.ge @!p0 [sflag:s8], $0x0  }
0x24: {  	s3 =	sadd.s32 $0x88, s3;
	s6 =	simm.s32 @!p1 $0x1082;
	[sflag:s4] =	ssyncset.s32 $0xFFFFF086  }
0x25: {  	[simem:s6], [sflag:s4] =	dma.local [hbm:s3], $0xF7A  }
0x26: {  	[smem:$0x3F9D] =	sst s1;
	(tag) =	ssettag s2;
	_ =	strace s9  }
0x27: {  	s1 =	sld [smem:$0x3FAD]  }
0x28: {  	s2 =	sld [smem:$0x3FAE]  }
0x29: {  	s4 =	sld [smem:$0x3FB0]  }
0x2a: {  	p0 =	seq.s32 s5, $0x0;
	s5 =	sld [smem:$0x3FB1]  }
0x2b: {  	s6 =	sld [smem:$0x3FB2]  }
0x2c: {  	s7 =	sld [smem:$0x3FB3]  }
0x2d: {  	s3 =	simm.s32 $0x108;
	s8 =	sld [smem:$0x3FB4]  }
0x2e: {  	s3 =	simm.s32 @!p0 $0x1082;
	s9 =	sld [smem:$0x3FB5]  }
0x2f: {  	lr =	sadd.s32 s0, s3;
	s0 =	sld [smem:$0x3FAC]  }
0x30: {  	s3 =	sld [smem:$0x3FAF]  }
0x31: {  	[smem:$0x3FB8] =	sst s10  }
0x32: {  	s10 =	sld [smem:$0x3FB6];
	_ =	sdelay $0x3  }
0x33: {  	p0 =	seq.s32 s10, $0x1;
	s10 =	sld [smem:$0x3FB8];
	_ =	sdelay $0x3  }
0x34: {  	[smem:$0x3FB8] =	sst s10  }
0x35: {  	s10 =	sld [smem:$0x3FB7];
	_ =	sdelay $0x3  }
0x36: {  	p1 =	seq.s32 s10, $0x1;
	s10 =	sld [smem:$0x3FB8];
	_ =	sdelay $0x3  }
0x37: {  	[smem:$0x3FB8] =	sst s10  }
0x38: {  	s10 =	sld [smem:$0x3FB9]  }
0x39: {  	_ = 	snop;
	(pc) =	sbr.ind lr, $3  }
0x3a: {  	_ = 	snop  }
0x3b: {  	_ = 	snop  }
0x3c: {  	p2 =	seq.s32 s10, $0x1;
	s10 =	sld [smem:$0x3FB8]  }
0x3d: {  	_ =	shalt  }
0x3e: {  	_ =	shalt  }
0x3f: {  	_ =	shalt  }
0x40: {  	_ =	shalt  }
0x41: {  	_ =	shalt  }
0x42: {  	_ =	shalt  }
0x43: {  	_ =	shalt  }
0x44: {  	_ =	shalt  }
0x45: {  	_ =	shalt  }
0x46: {  	_ =	shalt  }
0x47: {  	_ =	shalt  }
0x48: {  	_ =	shalt  }
0x49: {  	_ =	shalt  }
0x4a: {  	_ =	shalt  }
0x4b: {  	_ =	shalt  }
0x4c: {  	_ =	shalt  }
0x4d: {  	_ =	shalt  }
0x4e: {  	_ =	shalt  }
0x4f: {  	_ =	shalt  }
0x50: {  	_ =	shalt  }
0x51: {  	_ =	shalt  }
0x52: {  	_ =	shalt  }
0x53: {  	_ =	shalt  }
0x54: {  	_ =	shalt  }
0x55: {  	_ =	shalt  }
0x56: {  	_ =	shalt  }
0x57: {  	_ =	shalt  }
0x58: {  	_ =	shalt  }
0x59: {  	_ =	shalt  }
0x5a: {  	_ =	shalt  }
0x5b: {  	_ =	shalt  }
0x5c: {  	_ =	shalt  }
0x5d: {  	_ =	shalt  }
0x5e: {  	_ =	shalt  }
0x5f: {  	_ =	shalt  }
0x60: {  	_ =	shalt  }
0x61: {  	_ =	shalt  }
0x62: {  	_ =	shalt  }
0x63: {  	_ =	shalt  }
0x64: {  	_ =	shalt  }
0x65: {  	_ =	shalt  }
0x66: {  	_ =	shalt  }
0x67: {  	_ =	shalt  }
0x68: {  	_ =	shalt  }
0x69: {  	_ =	shalt  }
0x6a: {  	_ =	shalt  }
0x6b: {  	_ =	shalt  }
0x6c: {  	_ =	shalt  }
0x6d: {  	_ =	shalt  }
0x6e: {  	_ =	shalt  }
0x6f: {  	_ =	shalt  }
0x70: {  	_ =	shalt  }
0x71: {  	_ =	shalt  }
0x72: {  	_ =	shalt  }
0x73: {  	_ =	shalt  }
0x74: {  	_ =	shalt  }
0x75: {  	_ =	shalt  }
0x76: {  	_ =	shalt  }
0x77: {  	_ =	shalt  }
0x78: {  	_ =	shalt  }
0x79: {  	_ =	shalt  }
0x7a: {  	_ =	shalt  }
0x7b: {  	_ =	shalt  }
0x7c: {  	_ =	shalt  }
0x7d: {  	_ =	shalt  }
0x7e: {  	_ =	shalt  }
0x7f: {  	_ =	shalt  }
0x80: {  	_ =	shalt  }
0x81: {  	_ =	shalt  }
0x82: {  	_ =	shalt  }
0x83: {  	_ =	shalt  }
0x84: {  	_ =	shalt  }
0x85: {  	_ =	shalt  }
0x86: {  	_ =	shalt  }
0x87: {  	_ =	shalt  }
.Lfunc_end0:
.L_simem_size_0:
called_computation_lowered:
.L_overlay_start_0:
0x88: {  	s2 =	sld [smem:$0x3FD9]  }
0x89: {  	s3 =	sld [smem:$0x3FFE];
	_ =	sdelay $0x1  }
0x8a: {  	s1 =	srdreg.scid  }
0x8b: {  	s0 =	sand.u32 $0x1, s1  }
0x8c: {  	s17 =	sshll.u32 s0, $0xA;
	s2 =	sadd.s32 s3, s2  }
0x8d: {  	s2 =	sadd.s32 s2, s17  }
0x8e: {  	[smem:$0x3FC4] =	sst s2  }
0x8f: {  	_ = 	snop  }
0x90: {  	s2 =	sld [smem:$0x3FD0];
	(tm) =	ssettm $0x1  }
0x91: {  	s18 =	sld [smem:$0x3FFB];
	_ =	sdelay $0x3  }
0x92: {  	_ =	strace s18  }
0x93: {  	s3 =	sld [smem:$0x3FFC];
	_ =	sdelay $0x3  }
0x94: {  	_ =	strace s3  }
0x95: {  	s3 =	sld [smem:$0x3FFD];
	_ =	sdelay $0x3  }
0x96: {  	_ =	strace s3  }
0x97: {  	_ =	strace $0x8FFFFFFF  }
0x98: {  	s19 =	sld [smem:$0x3FDB];
	_ =	sdelay $0x1  }
0x99: {  	s4 =	simm.s32 $_scs_section_size  }
0x9a: {  	s5 =	simm.s32 $_size__tile_overlayer_lowered;
	s6 =	simm.s32 $_tile_overlayer_lowered  }
0x9b: {  	s22 =	simm.s32 $0x1BFF;
	s21 =	sshll.u32 s6, $0x1;
	s3 =	sadd.s32 s4, s19  }
0x9c: {  	s7 =	simm.s32 $0x0;
	s20 =	sshll.u32 s5, $0x1;
	s5 =	sadd.s32 s21, s3  }
0x9d: {  	[timem:s7], [sflag:s22] =	dma.local [hbm:s5], s20  }
0x9e: {  	_ =	swait.ge [sflag:s22], s20  }
0x9f: {  	s4 =	ssub.s32 $0x0, s20;
	[sflag:s22] =	ssyncset.done $0x0  }
0xa0: {  	[sflag:s22] =	ssyncadd.s32 s4;
	_ =	sdelay $0x1  }
0xa1: {  	s23 =	simm.s32 $0x1B8B  }
0xa2: {  	_ =	swait.ge [sflag:s23], $0x1  }
0xa3: {  	[sflag:s23] =	ssyncset.done $0x0  }
0xa4: {  	s25 =	simm.s32 $0x1B8E;
	s24 =	sld [smem:$0x3FFE];
	[sflag:s23] =	ssyncadd.s32 $0xFFFFFFFF  }
0xa5: {  	s26 =	simm.s32 $execute0_lowered;
	[smem:$0x3FD2] =	sst s25  }
0xa6: {  	s5 =	sshll.u32 s26, $0x1;
	_ =	strace $0x80000046;
	[dreg:$0x1] =	wrdreg $0xFFFFFFFF  }
0xa7: {  	s28 =	simm.s32 $_size_execute0_lowered;
	s3 =	sadd.s32 s3, s5;
	[dreg:$0x0] =	wrdreg $0x0  }
0xa8: {  	s5 =	sshll.u32 s28, $0x1;
	[dreg:$0x2] =	wrdreg s3  }
0xa9: {  	[dreg:$0x3] =	wrdreg s5  }
0xaa: {  	[dreg:$0x4] =	wrdreg $0xC0  }
0xab: {  	_ =	task [dreg:s7], $0x5FFFF  }
0xac: {  	[dreg:$0x1] =	wrdreg $0xFFFFFFFF  }
0xad: {  	[dreg:$0x0] =	wrdreg $0x60  }
0xae: {  	[dreg:$0x2] =	wrdreg s2  }
0xaf: {  	[dreg:$0x3] =	wrdreg s24  }
0xb0: {  	[dreg:$0x4] =	wrdreg $0x9  }
0xb1: {  	_ =	task.clear_ibuf [dreg:s7], $0x5FFFF;
	_ =	strace $0x90000046  }
0xb2: {  	s29 =	simm.s32 $0x9;
	_ =	strace $0x80000048  }
0xb3: {  	_ =	swait.ge [sflag:s29], $0x1  }
0xb4: {  	[sflag:s29] =	ssyncadd.s32 $0xFFFFFFFF  }
0xb5: {  	_ =	strace $0x90000048  }
0xb6: {  	_ =	sfence  }
0xb7: {  	s30 =	sld [smem:$0x0];
	_ =	sdelay $0x2  }
0xb8: {  	s31 =	sshll.u32 s1, $0xD;
	s1 =	sshrl.u32 s1, $0x2  }
0xb9: {  	s3 =	sand.u32 $0x4000, s31;
	s1 =	sadd.s32 s1, s30  }
0xba: {  	s0 =	sor.u32 s3, s0;
	s1 =	sshll.u32 s1, $0x11  }
0xbb: {  	s0 =	sor.u32 s1, s0  }
0xbc: {  	s0 =	sadd.s32 $0x8F2B, s0  }
0xbd: {  	[sflag:s0] =	ssyncadd.remote.s32 $0x1  }
0xbe: {  	_ =	sfence.sel $0xFFFF  }
0xbf: {  	[dreg:$0x0] =	wrdreg $0xFFFFFFFF;
	(pc) =	sbr.abs _section_cstart, $3  }
0xc0: {  	[dreg:$0x1] =	wrdreg $0xFFFFFFFF  }
0xc1: {  	_ =	task.clear_ibuf [dreg:s7], $0x2FFFF;
	_ =	strace $0x9FFFFFFF  }
0xc2: {  	(tm) =	ssettm $0x7FFFFFFF  }
0xc3: {  	_ =	shalt  }
tec
execute0_lowered:
.L_overlay_start_1:
0x0: {  	(tag) =	ssettag $0x1  }
0x1: {  	s4 =	rddreg [dreg:$0x0]  }
0x2: {  	s5 =	rddreg [dreg:$0x1]  }
0x3: {  	s0 =	rddreg [dreg:$0x2];
	s3 =	srdreg.scid  }
0x4: {  	s2 =	simm.s32 $0x0;
	s1 =	stileid.u32;
	s10 =	simm.s32 $0x6400  }
0x5: {  	s11 =	simm.s32 $0x60;
	s12 =	simm.s32 $0x7E00;
	s13 =	simm.s32 $0x9600  }
0x6: {  	s14 =	simm.s32 $0xB000;
	s15 =	simm.s32 $0x1;
	s16 =	simm.s32 $0x2  }
0x7: {  	s17 =	simm.s32 $0xC800;
	s18 =	simm.s32 $0x0;
	s3 =	sand.u32 $0x1, s3  }
0x8: {  	[smem:$0x7FF] =	sst s2;
	s6 =	sshll.u32 s1, $0x8;
	s7 =	sshll.u32 s3, $0x7  }
0x9: {  	_ =	strace $0x80000047;
	s31 =	ssub.s32 $0x2, s3;
	s6 =	sor.u32 s7, s6  }
0xa: {  	s9 =	sshrl.u32 s31, $0x1;
	s8 =	sshll.u32 s6, $0x3;
	s6 =	smul.u32 $0x19, s6  }
0xb: {  	s3 =	sadd.s32 $0x187600, s5;
	s7 =	ssub.s32 s31, s9;
	s9 =	simm.s32 $0x68  }
0xc: {  	s5 =	sadd.s32 s8, s5;
	s8 =	simm.s32 $0xE800;
	s4 =	sadd.s32 s4, s6  }
0xd: {  	vm0 =	vcmask $0x3F20;
	s5 =	sadd.s32 $0xA00, s5;
	s6 =	smax.u32 s7, $0x1;
	s7 =	simm.s32 $0x3  }
.LBB2_1:
0xe: {  	[tilespmem:s2], [sflag:$0x3] =	stream.linear.gather [hbm4b:s4+s2], $0x6400, $0x38;
	[tilespmem:$0xE840] =	vst v63  }
0xf: {  	_ =	swait.ge [sflag:s7], $0x6400  }
0x10: {  	[sflag:s7] =	ssyncset.done $0x0  }
0x11: {  	[sflag:s7] =	ssyncadd.s32 $0xFFFF9C00  }
0x12: {  	[tilespmem:s8], [sflag:$0x3] =	stream.linear.gather [hbm4b:s3+s2], $0x40, $0x38;
	[tilespmem:$0xE840] =	vst v63  }
0x13: {  	_ =	swait.ge [sflag:s7], $0x40  }
0x14: {  	[sflag:s7] =	ssyncset.done $0x0  }
0x15: {  	[sflag:s7] =	ssyncadd.s32 $0xFFFFFFC0  }
0x16: {  	v0 =	vld [tilespmem:$0xE800]  }
0x17: {  	v1 =	vld [tilespmem:$0xE810]  }
0x18: {  	v2 =	vld [tilespmem:$0xE820]  }
0x19: {  	v3 =	vld [tilespmem:$0xE830];
	[tilespmem:s10], [sflag:$0x1] =	stream.indirect.gather [hbm4b:s3+s9], $0x40, s2, s9, $0xb8  }
0x1a: {  	s19 =	simm.s32 $0x0  }
0x1b: {  	[tilespmem:s12], [sflag:$0x1] =	stream.indirect.gather [hbm4b:s3+s11], $0x40, s9, s11, $0xb8;
	[tilespmem:$0xE840] =	vst v63  }
.LBB2_2:
0x1c: {  	s20 =	sshllo.u32 s19, $0x1  }
0x1d: {  	s21 =	smul.u32 $0x320, s20;
	_ =	sdelay $0x1  }
0x1e: {  	s21 =	sshra.s32 s21, $0x2  }
0x1f: {  	[tilespmem:s13], [sflag:$0x2] =	stream.indirect.gather [hbm4b:s3+s9], $0x40, s21, s9, $0xb8;
	[tilespmem:$0xE840] =	vst v63  }
0x20: {  	s22 =	sadd.s32 $0x68, s21  }
0x21: {  	[tilespmem:s14], [sflag:$0x2] =	stream.indirect.gather [hbm4b:s3+s11], $0x40, s22, s11, $0xb8;
	[tilespmem:$0xE840] =	vst v63  }
0x22: {  	_ =	swait.ge [sflag:s15], $0x1A00  }
0x23: {  	[sflag:s15] =	ssyncset.done $0x0  }
0x24: {  	[sflag:s15] =	ssyncadd.s32 $0xFFFFE600  }
0x25: {  	_ =	swait.ge [sflag:s15], $0x1800  }
0x26: {  	[sflag:s15] =	ssyncset.done $0x0  }
0x27: {  	s23 =	simm.s32 $0x6480;
	[sflag:s15] =	ssyncadd.s32 $0xFFFFE800  }
0x28: {  	v4 =	vld [tilespmem:s23+$0x40]  }
0x29: {  	v5 =	vld [tilespmem:s23+$0x50]  }
0x2a: {  	v6 =	vld [tilespmem:s23+$0x0]  }
0x2b: {  	v7 =	vld [tilespmem:s23+$0x10]  }
0x2c: {  	v11 =	vld [tilespmem:s23+$0xFFFFFFC0]  }
0x2d: {  	v16 =	vld [tilespmem:s23+$0xFFFFFFD0]  }
0x2e: {  	v9 =	vld [tilespmem:s23+$0xFFFFFF80]  }
0x2f: {  	v10 =	vld [tilespmem:s23+$0xFFFFFF90]  }
0x30: {  	v14 =	vld [tilespmem:s23+$0xFFFFFFA0]  }
0x31: {  	v17 =	vld [tilespmem:s23+$0xFFFFFFB0]  }
0x32: {  	v12 =	vld [tilespmem:s23+$0xFFFFFFE0]  }
0x33: {  	v13 =	vld [tilespmem:s23+$0xFFFFFFF0]  }
0x34: {  	v18 =	vimm.f32 $0.0e+00;
	v8 =	vld [tilespmem:s23+$0x20]  }
0x35: {  	v19 =	vadd.f32 v9, v18;
	v20 =	vadd.f32 v10, v18;
	v10 =	vld [tilespmem:s23+$0x30]  }
0x36: {  	v15 =	vadd.f32 v14, v18;
	v14 =	vadd.f32 v17, v18;
	v9 =	vld [tilespmem:s23+$0x60]  }
0x37: {  	s22 =	simm.s32 $0x0;
	v17 =	vadd.f32 v11, v19;
	v16 =	vadd.f32 v16, v20;
	v11 =	vld [tilespmem:s23+$0x70];
	s23 =	simm.s32 $0x6580  }
.LBB2_3:
0x38: {  	v18 =	vld [tilespmem:s23+$0x40];
	v12 =	vadd.f32 v12, v15;
	v13 =	vadd.f32 v13, v14  }
0x39: {  	v14 =	vld [tilespmem:s23+$0x50];
	v15 =	vadd.f32 v6, v17;
	v16 =	vadd.f32 v7, v16  }
0x3a: {  	v6 =	vld [tilespmem:s23+$0x0];
	v8 =	vadd.f32 v8, v12;
	v10 =	vadd.f32 v10, v13  }
0x3b: {  	v7 =	vld [tilespmem:s23+$0x10];
	v15 =	vadd.f32 v4, v15;
	v16 =	vadd.f32 v5, v16  }
0x3c: {  	v17 =	vld [tilespmem:s23+$0xFFFFFFC0];
	v9 =	vadd.f32 v9, v8;
	v11 =	vadd.f32 v11, v10  }
0x3d: {  	v19 =	vld [tilespmem:s23+$0xFFFFFFD0];
	v4 =	vmov v18  }
0x3e: {  	v10 =	vld [tilespmem:s23+$0xFFFFFF80];
	v5 =	vmov v14  }
0x3f: {  	v14 =	vld [tilespmem:s23+$0xFFFFFF90]  }
0x40: {  	v18 =	vld [tilespmem:s23+$0xFFFFFFA0]  }
0x41: {  	s22 =	sadd.s32 $0x4, s22;
	v20 =	vld [tilespmem:s23+$0xFFFFFFB0]  }
0x42: {  	p0 =	slt.u32 s22, $0xC4;
	v12 =	vld [tilespmem:s23+$0xFFFFFFE0]  }
.Ltmp0:
0x43: {  	v13 =	vld [tilespmem:s23+$0xFFFFFFF0];
	(pc) =	sbr.rel @p0 .LBB2_3-.Ltmp0, $4  }
0x44: {  	v8 =	vld [tilespmem:s23+$0x20]  }
0x45: {  	v21 =	vadd.f32 v10, v15;
	v16 =	vadd.f32 v14, v16;
	v10 =	vld [tilespmem:s23+$0x30]  }
0x46: {  	v15 =	vadd.f32 v18, v9;
	v14 =	vadd.f32 v20, v11;
	v9 =	vld [tilespmem:s23+$0x60]  }
0x47: {  	v17 =	vadd.f32 v17, v21;
	v16 =	vadd.f32 v19, v16;
	v11 =	vld [tilespmem:s23+$0x70];
	s23 =	sadd.s32 $0x100, s23  }
0x48: {  	s22 =	smul.u32 $0x640, s19;
	_ =	sdelay $0x1  }
0x49: {  	s22 =	sshra.s32 s22, $0x2  }
0x4a: {  	v18 =	vld [tilespmem:s22+$0x0]  }
0x4b: {  	v19 =	vld [tilespmem:s22+$0x10]  }
0x4c: {  	v20 =	vld [tilespmem:s22+$0x20]  }
0x4d: {  	v21 =	vld [tilespmem:s22+$0x30]  }
0x4e: {  	v22 =	vld [tilespmem:s22+$0x40]  }
0x4f: {  	v23 =	vld [tilespmem:s22+$0x50]  }
0x50: {  	vm1 =	veq.s32 v18, $0x0;
	vm2 =	veq.s32 v19, $0x0;
	v18 =	vld [tilespmem:s22+$0x60]  }
0x51: {  	v50 =	vld [tilespmem:s22+$0x70];
	v19 =	vmpcnt.ones.xlane vm1;
	v24 =	vmpcnt.ones.xlane vm2;
	vm1 =	veq.s32 v20, $0x0  }
0x52: {  	v51 =	vld [tilespmem:s22+$0x80];
	v25 =	vmpcnt.ones.xlane vm1;
	vm1 =	veq.s32 v21, $0x0  }
0x53: {  	v53 =	vld [tilespmem:s22+$0x90];
	v19 =	vadd.s32 v19, v24;
	v52 =	vmpcnt.ones.xlane vm1;
	vm1 =	veq.s32 v22, $0x0  }
0x54: {  	v55 =	vld [tilespmem:s22+$0xA0];
	v19 =	vadd.s32 v25, v19;
	v54 =	vmpcnt.ones.xlane vm1;
	vm1 =	veq.s32 v23, $0x0  }
0x55: {  	v58 =	vld [tilespmem:s22+$0xB8];
	v19 =	vadd.s32 v52, v19;
	v56 =	vmpcnt.ones.xlane vm1;
	vm1 =	veq.s32 v18, $0x0  }
0x56: {  	v18 =	vld [tilespmem:s22+$0xB0];
	v19 =	vadd.s32 v54, v19;
	v57 =	vmpcnt.ones.xlane vm1;
	vm1 =	veq.s32 v50, $0x0  }
0x57: {  	vm2 =	veq.s32 v51, $0x0;
	v19 =	vadd.s32 v56, v19;
	v59 =	vmpcnt.ones.xlane vm1  }
0x58: {  	v60 =	vmpcnt.ones.xlane vm2;
	v19 =	vadd.s32 v57, v19  }
0x59: {  	vm1 =	veq.s32 v53, $0x0;
	v19 =	vadd.s32 v59, v19  }
0x5a: {  	vm2 =	veq.s32 v55, $0x0;
	v61 =	vmpcnt.ones.xlane vm1;
	v19 =	vadd.s32 v60, v19  }
0x5b: {  	vm1 =	veq.s32 v18, $0x0;
	v18 =	vmpcnt.ones.xlane vm2;
	vm2 =	veq.s32 v58, $0x0  }
0x5c: {  	v62 =	vmpcnt.ones.xlane vm1;
	v19 =	vadd.s32 v61, v19;
	vm1 =	vmand vm2, vm0  }
0x5d: {  	v18 =	vadd.s32 v18, v19;
	v19 =	vmpcnt.ones.xlane vm1  }
0x5e: {  	v18 =	vadd.s32 v62, v18  }
0x5f: {  	v18 =	vadd.s32 v19, v18  }
0x60: {  	v12 =	vadd.f32 v12, v15;
	v6 =	vadd.f32 v6, v17;
	v15 =	vcvt.s32.f32 v18  }
0x61: {  	v13 =	vadd.f32 v13, v14;
	v7 =	vadd.f32 v7, v16  }
0x62: {  	v8 =	vadd.f32 v8, v12;
	v4 =	vadd.f32 v4, v6;
	v6 =	vmul.f32 v15, v0  }
0x63: {  	v10 =	vadd.f32 v10, v13;
	v5 =	vadd.f32 v5, v7;
	v7 =	vmul.f32 v15, v1  }
0x64: {  	s23 =	sshll.u32 s19, $0x7;
	v8 =	vadd.f32 v9, v8;
	v4 =	vsub.f32 v4, v6;
	v6 =	vmul.f32 v15, v2  }
0x65: {  	s23 =	sand.u32 $0x3FFFFF80, s23;
	v9 =	vadd.f32 v11, v10;
	v5 =	vsub.f32 v5, v7;
	v7 =	vmul.f32 v15, v3  }
0x66: {  	[tilespmem:s23+$0xC800] =	vst v4;
	v4 =	vsub.f32 v8, v6  }
0x67: {  	[tilespmem:s23+$0xC810] =	vst v5;
	v5 =	vsub.f32 v9, v7  }
0x68: {  	p0 =	seq.s32 s19, $0x3F;
	[tilespmem:s23+$0xC820] =	vst v4  }
0x69: {  	s24 =	simm.s32 @!p0 $0x68;
	s25 =	simm.s32 @!p0 $0x6400;
	[tilespmem:s23+$0xC830] =	vst v5;
	s23 =	sadd.s32 @!p0 $0x190, s22  }
0x6a: {  	[tilespmem:s25], [sflag:$0x1] =	stream.indirect.gather @!p0 [hbm4b:s3+s24], $0x40, s23, s24, $0xb8;
	[tilespmem:$0xE840] =	vst v63  }
0x6b: {  	s22 =	sadd.s32 @!p0 $0x1F8, s22;
	s23 =	simm.s32 @!p0 $0x60;
	s24 =	simm.s32 @!p0 $0x7E00  }
0x6c: {  	[tilespmem:s24], [sflag:$0x1] =	stream.indirect.gather @!p0 [hbm4b:s3+s23], $0x40, s22, s23, $0xb8;
	[tilespmem:$0xE840] =	vst v63  }
0x6d: {  	_ =	swait.ge [sflag:s16], $0x1A00  }
0x6e: {  	[sflag:s16] =	ssyncset.done $0x0  }
0x6f: {  	[sflag:s16] =	ssyncadd.s32 $0xFFFFE600  }
0x70: {  	_ =	swait.ge [sflag:s16], $0x1800  }
0x71: {  	[sflag:s16] =	ssyncset.done $0x0  }
0x72: {  	s31 =	simm.s32 $0x96F0;
	[sflag:s16] =	ssyncadd.s32 $0xFFFFE800  }
0x73: {  	v4 =	vld [tilespmem:s31+$0xFFFFFFD0]  }
0x74: {  	v5 =	vld [tilespmem:s31+$0xFFFFFFE0]  }
0x75: {  	v6 =	vld [tilespmem:s31+$0xFFFFFF90]  }
0x76: {  	v7 =	vld [tilespmem:s31+$0xFFFFFFA0]  }
0x77: {  	v11 =	vld [tilespmem:s31+$0xFFFFFF50]  }
0x78: {  	v16 =	vld [tilespmem:s31+$0xFFFFFF60]  }
0x79: {  	v9 =	vld [tilespmem:s31+$0xFFFFFF10]  }
0x7a: {  	v10 =	vld [tilespmem:s31+$0xFFFFFF20]  }
0x7b: {  	v14 =	vld [tilespmem:s31+$0xFFFFFF30]  }
0x7c: {  	v17 =	vld [tilespmem:s31+$0xFFFFFF40]  }
0x7d: {  	v12 =	vld [tilespmem:s31+$0xFFFFFF70]  }
0x7e: {  	v13 =	vld [tilespmem:s31+$0xFFFFFF80]  }
0x7f: {  	v18 =	vimm.f32 $0.0e+00;
	v8 =	vld [tilespmem:s31+$0xFFFFFFB0]  }
0x80: {  	v19 =	vadd.f32 v9, v18;
	v63 =	vadd.f32 v10, v18;
	v10 =	vld [tilespmem:s31+$0xFFFFFFC0]  }
0x81: {  	v15 =	vadd.f32 v14, v18;
	v14 =	vadd.f32 v17, v18;
	v9 =	vld [tilespmem:s31+$0xFFFFFFF0]  }
0x82: {  	s22 =	simm.s32 $0x0;
	s23 =	simm.s32 $0x97F0;
	v17 =	vadd.f32 v11, v19;
	v16 =	vadd.f32 v16, v63;
	v11 =	vld [tilespmem:s31+$0x0]  }
.LBB2_5:
0x83: {  	v18 =	vld [tilespmem:s23+$0xFFFFFFD0];
	v12 =	vadd.f32 v12, v15;
	v13 =	vadd.f32 v13, v14  }
0x84: {  	v14 =	vld [tilespmem:s23+$0xFFFFFFE0];
	v15 =	vadd.f32 v6, v17;
	v16 =	vadd.f32 v7, v16  }
0x85: {  	v6 =	vld [tilespmem:s23+$0xFFFFFF90];
	v8 =	vadd.f32 v8, v12;
	v10 =	vadd.f32 v10, v13  }
0x86: {  	v7 =	vld [tilespmem:s23+$0xFFFFFFA0];
	v15 =	vadd.f32 v4, v15;
	v16 =	vadd.f32 v5, v16  }
0x87: {  	v17 =	vld [tilespmem:s23+$0xFFFFFF50];
	v9 =	vadd.f32 v9, v8;
	v11 =	vadd.f32 v11, v10  }
0x88: {  	v19 =	vld [tilespmem:s23+$0xFFFFFF60];
	v4 =	vmov v18  }
0x89: {  	v10 =	vld [tilespmem:s23+$0xFFFFFF10];
	v5 =	vmov v14  }
0x8a: {  	v14 =	vld [tilespmem:s23+$0xFFFFFF20]  }
0x8b: {  	v18 =	vld [tilespmem:s23+$0xFFFFFF30]  }
0x8c: {  	s22 =	sadd.s32 $0x4, s22;
	v20 =	vld [tilespmem:s23+$0xFFFFFF40]  }
0x8d: {  	p0 =	slt.u32 s22, $0xC4;
	v12 =	vld [tilespmem:s23+$0xFFFFFF70]  }
.Ltmp1:
0x8e: {  	v13 =	vld [tilespmem:s23+$0xFFFFFF80];
	(pc) =	sbr.rel @p0 .LBB2_5-.Ltmp1, $4  }
0x8f: {  	v8 =	vld [tilespmem:s23+$0xFFFFFFB0]  }
0x90: {  	v21 =	vadd.f32 v10, v15;
	v16 =	vadd.f32 v14, v16;
	v10 =	vld [tilespmem:s23+$0xFFFFFFC0]  }
0x91: {  	v15 =	vadd.f32 v18, v9;
	v14 =	vadd.f32 v20, v11;
	v9 =	vld [tilespmem:s23+$0xFFFFFFF0]  }
0x92: {  	v17 =	vadd.f32 v17, v21;
	v16 =	vadd.f32 v19, v16;
	v11 =	vld [tilespmem:s23+$0x0];
	s23 =	sadd.s32 $0x100, s23  }
0x93: {  	v18 =	vld [tilespmem:s21+$0x0]  }
0x94: {  	v19 =	vld [tilespmem:s21+$0x10]  }
0x95: {  	v20 =	vld [tilespmem:s21+$0x20]  }
0x96: {  	v21 =	vld [tilespmem:s21+$0x30]  }
0x97: {  	v43 =	vld [tilespmem:s21+$0x80]  }
0x98: {  	v22 =	vld [tilespmem:s21+$0x40]  }
0x99: {  	v23 =	vld [tilespmem:s21+$0x50]  }
0x9a: {  	v40 =	vld [tilespmem:s21+$0x60];
	vm1 =	veq.s32 v18, $0x0;
	vm2 =	veq.s32 v19, $0x0  }
0x9b: {  	v42 =	vld [tilespmem:s21+$0x70];
	v41 =	vmpcnt.ones.xlane vm1;
	v24 =	vmpcnt.ones.xlane vm2;
	vm1 =	veq.s32 v20, $0x0  }
0x9c: {  	v45 =	vld [tilespmem:s21+$0x90];
	vm2 =	veq.s32 v43, $0x0;
	v25 =	vmpcnt.ones.xlane vm1;
	vm1 =	veq.s32 v21, $0x0  }
0x9d: {  	v47 =	vld [tilespmem:s21+$0xA0];
	v19 =	vadd.s32 v41, v24;
	v44 =	vmpcnt.ones.xlane vm1;
	vm1 =	veq.s32 v22, $0x0  }
0x9e: {  	v49 =	vld [tilespmem:s21+$0xB0];
	v19 =	vadd.s32 v25, v19;
	v46 =	vmpcnt.ones.xlane vm1;
	vm1 =	veq.s32 v23, $0x0  }
0x9f: {  	v51 =	vld [tilespmem:s21+$0xB8];
	v19 =	vadd.s32 v44, v19;
	v48 =	vmpcnt.ones.xlane vm1;
	vm1 =	veq.s32 v40, $0x0  }
0xa0: {  	v19 =	vadd.s32 v46, v19;
	v50 =	vmpcnt.ones.xlane vm1;
	vm1 =	veq.s32 v42, $0x0  }
0xa1: {  	v53 =	vmpcnt.ones.xlane vm2;
	v19 =	vadd.s32 v48, v19;
	v52 =	vmpcnt.ones.xlane vm1  }
0xa2: {  	vm2 =	veq.s32 v47, $0x0;
	vm1 =	veq.s32 v45, $0x0;
	v19 =	vadd.s32 v50, v19  }
0xa3: {  	v55 =	vmpcnt.ones.xlane vm2;
	v54 =	vmpcnt.ones.xlane vm1;
	v19 =	vadd.s32 v52, v19  }
0xa4: {  	vm2 =	veq.s32 v51, $0x0;
	vm1 =	veq.s32 v49, $0x0;
	v19 =	vadd.s32 v53, v19  }
0xa5: {  	v56 =	vmpcnt.ones.xlane vm1;
	vm1 =	vmand vm2, vm0;
	v19 =	vadd.s32 v54, v19  }
0xa6: {  	v57 =	vmpcnt.ones.xlane vm1;
	v18 =	vadd.s32 v55, v19  }
0xa7: {  	v18 =	vadd.s32 v56, v18  }
0xa8: {  	v18 =	vadd.s32 v57, v18  }
0xa9: {  	v12 =	vadd.f32 v12, v15;
	v6 =	vadd.f32 v6, v17;
	v58 =	vcvt.s32.f32 v18  }
0xaa: {  	v13 =	vadd.f32 v13, v14;
	v7 =	vadd.f32 v7, v16  }
0xab: {  	v8 =	vadd.f32 v8, v12;
	v4 =	vadd.f32 v4, v6;
	v59 =	vmul.f32 v58, v0  }
0xac: {  	s19 =	sadd.s32 $0x1, s19;
	v10 =	vadd.f32 v10, v13;
	v5 =	vadd.f32 v5, v7;
	v60 =	vmul.f32 v58, v1  }
0xad: {  	s20 =	sshll.u32 s20, $0x6;
	p0 =	sne.s32 s19, $0x40;
	v8 =	vadd.f32 v9, v8;
	v61 =	vmul.f32 v58, v2;
	v4 =	vsub.f32 v4, v59  }
.Ltmp2:
0xae: {  	s20 =	sand.u32 $0x3FFFFFC0, s20;
	v62 =	vadd.f32 v11, v10;
	v63 =	vmul.f32 v58, v3;
	v5 =	vsub.f32 v5, v60;
	(pc) =	sbr.rel @p0 .LBB2_2-.Ltmp2, $4  }
0xaf: {  	[tilespmem:s20+$0xC800] =	vst v4;
	v4 =	vsub.f32 v8, v61  }
0xb0: {  	[tilespmem:s20+$0xC810] =	vst v5;
	v5 =	vsub.f32 v62, v63  }
0xb1: {  	[tilespmem:s20+$0xC820] =	vst v4  }
0xb2: {  	[tilespmem:s20+$0xC830] =	vst v5  }
0xb3: {  	s18 =	sadd.s32 $0x1, s18  }
0xb4: {  	p0 =	sne.s32 s18, s6  }
.Ltmp3:
0xb5: {  	_ = 	snop;
	(pc) =	sbr.rel @p0 .LBB2_1-.Ltmp3, $4  }
0xb6: {  	[hbm4b:s5+s2] =	stream.linear.scatter [tilespmem:s17], [sflag:$0x3], $0x2000, $0x38;
	[tilespmem:$0xE840] =	vst v63  }
0xb7: {  	_ =	swait.ge [sflag:s7], $0x2000  }
0xb8: {  	[sflag:s7] =	ssyncset.done $0x0  }
0xb9: {  	[sflag:s7] =	ssyncadd.s32 $0xFFFFE000  }
0xba: {  	_ =	sfence.sel $0x180000  }
0xbb: {  	[bflag:$0x0] =	sbarrier.arrive $0xFFFF  }
0xbc: {  	p0 =	sne.s32 s1, $0x0;
	_ =	strace $0x90000047  }
0xbd: {  	s0 =	sadd.s32 @!p0 $0x100000, s0;
	[bflag:$0x2] =	sbarrier.arrive $0xFFFF  }
0xbe: {  	[sflag:s0] =	ssyncadd.tile.s32 @!p0 $0x1;
	_ =	shalt  }
.Lfunc_end2:
_tile_overlayer_lowered:
.L_overlay_start_2:
0xbf: {  	(tag) =	ssettag $0x2  }
0xc0: {  	s0 =	rddreg [dreg:$0x0];
	s2 =	stileid.u32  }
0xc1: {  	s1 =	rddreg [dreg:$0x1];
	p0 =	sne.s32 s2, $0x0  }
0xc2: {  	s3 =	rddreg [dreg:$0x2];
	[bflag:$0x3] =	sbarrier.arrive $0xFFFF;
	s2 =	simm.s32 @!p0 $0x1C03  }
0xc3: {  	[timem:s3], [sflag:s2] =	dma.local @!p0 [hbm:s0], s1  }
0xc4: {  	s0 =	simm.s32 @!p0 $0x3  }
0xc5: {  	_ =	swait.ge @!p0 [sflag:s0], s1  }
0xc6: {  	s1 =	ssub.s32 @!p0 $0x0, s1;
	[sflag:s0] =	ssyncset.done @!p0 $0x0  }
0xc7: {  	[sflag:s0] =	ssyncadd.s32 @!p0 s1  }
0xc8: {  	[bflag:$0x3] =	sbarrier.arrive $0xFFFF  }
0xc9: {  	_ =	shalt  }

</sc_bundles>
